<compile_context>
chip_gen: v7x
topology: tpu7x:2x2x1
jax: 0.10.2.dev20260603
libtpu: 0.0.44.dev20260713+nightly
codegen_flags: <defaults>
</compile_context>

<pallas_src>
import functools

import jax
import jax.numpy as jnp
from jax import lax
from jax.experimental import pallas as pl
from jax.experimental.pallas import tpu as pltpu, tpu_sc as plsc

B, S, D = 2, 2048, 128
N_TOK = B * S
N_RULES = 64
VOCAB = 32000
NW = 32
TOK_PER_W = N_TOK // NW


@functools.cache
def _make_rule_lookup():
    mesh = plsc.VectorSubcoreMesh(core_axis_name="c", subcore_axis_name="s")

    @functools.partial(
        pl.kernel,
        mesh=mesh,
        out_type=jax.ShapeDtypeStruct((N_TOK,), jnp.int32),
        scratch_types=[
            pltpu.VMEM((TOK_PER_W,), jnp.int32),
            pltpu.VMEM((TOK_PER_W,), jnp.int32),
            pltpu.SemaphoreType.DMA,
        ],
    )
    def _rule_lookup(ids_hbm, table_hbm, out_hbm, idx_v, rows_v, sem):
        wid = lax.axis_index("s") * 2 + lax.axis_index("c")
        base = wid * TOK_PER_W
        pltpu.sync_copy(ids_hbm.at[pl.ds(base, TOK_PER_W)], idx_v)
        pltpu.async_copy(table_hbm.at[idx_v], rows_v, sem).wait()
        pltpu.sync_copy(rows_v, out_hbm.at[pl.ds(base, TOK_PER_W)])

    return _rule_lookup



TBLK = 1024
NBLK = N_TOK // TBLK


def _tc_body(idx_ref, h_ref, rt_ref, o_ref, rtb_ref):
    i = pl.program_id(0)

    @pl.when(i == 0)
    def _():
        rt = rt_ref[...]
        sq = jnp.sum(rt * rt, axis=(1, 2))
        inv = 1.0 / jnp.maximum(jnp.sqrt(sq), 1e-12)
        rtb_ref[...] = (rt * inv[:, None, None]).astype(jnp.bfloat16)

    h = h_ref[...].astype(jnp.bfloat16)
    idx = idx_ref[0, 0, :]
    idxb = jnp.broadcast_to(
        idx.astype(jnp.bfloat16)[:, None], (TBLK, D))
    zero = jnp.zeros((TBLK, D), jnp.bfloat16)

    acc = jnp.zeros((TBLK, D), jnp.float32)
    for r in range(N_RULES):
        hm = jnp.where(idxb == jnp.bfloat16(r), h, zero)
        acc = acc + lax.dot_general(hm, rtb_ref[r],
                                    (((1,), (0,)), ((), ())),
                                    preferred_element_type=jnp.float32)
    o_ref[...] = acc


def _apply_rules(rule_idx, hidden, rule_transform):
    idx3 = rule_idx.reshape(NBLK, 1, TBLK)
    return pl.pallas_call(
        _tc_body,
        grid=(NBLK,),
        in_specs=[
            pl.BlockSpec((1, 1, TBLK), lambda i: (i, 0, 0)),
            pl.BlockSpec((TBLK, D), lambda i: (i, 0)),
            pl.BlockSpec((N_RULES, D, D), lambda i: (0, 0, 0)),
        ],
        out_specs=pl.BlockSpec((TBLK, D), lambda i: (i, 0)),
        out_shape=jax.ShapeDtypeStruct((N_TOK, D), jnp.float32),
        scratch_shapes=[pltpu.VMEM((N_RULES, D, D), jnp.bfloat16)],
    )(idx3, hidden, rule_transform)


def kernel(hidden_states, token_ids, token_rules, rule_transform):
    ids = token_ids.reshape(N_TOK).astype(jnp.int32)
    table = token_rules.astype(jnp.int32)
    rule_idx = _make_rule_lookup()(ids, table)
    h = hidden_states.reshape(N_TOK, D)
    out = _apply_rules(rule_idx, h, rule_transform)
    return out.reshape(B, S, D)

# --- scband reference (transcript-rebuilt; emitter-appended) ---
"""Pipeline reference for scband-rule-transform-50680614093539 (READ-ONLY COPY).

The authoritative reference and input builder live on the scoring server;
editing this copy changes nothing except your own understanding.
"""

import jax, jax.numpy as jnp
import numpy as np

VOCAB_SIZE = 32000
EMBEDDING_DIM = 128
MAX_RULES = 64
B, S = 2, 2048


def setup_inputs(seed: int = 0) -> dict:
    key = jax.random.key(seed)
    k1, k2, k3, k4 = jax.random.split(key, 4)
    hidden_states = jax.random.normal(k1, (B, S, EMBEDDING_DIM), dtype=jnp.float32)
    token_ids = jax.random.randint(k2, (B, S), 0, VOCAB_SIZE, dtype=jnp.int64)
    # buffer: token -> rule id mapping (registered buffer in the torch module)
    token_rules = jax.random.randint(k3, (VOCAB_SIZE,), 0, MAX_RULES, dtype=jnp.int64)
    # learned parameter: per-rule transform matrices
    rule_transform = jax.random.normal(k4, (MAX_RULES, EMBEDDING_DIM, EMBEDDING_DIM), dtype=jnp.float32)
    return {
        "hidden_states": hidden_states,
        "token_ids": token_ids,
        "token_rules": token_rules,
        "rule_transform": rule_transform,
    }


def reference(hidden_states, token_ids, token_rules, rule_transform):
    # rule_indices = self.token_rules[token_ids]  -> [B, S]
    rule_indices = jnp.take(token_rules, token_ids, axis=0)
    # rule_matrices = self.rule_transform[rule_indices] -> [B, S, D, D]
    rule_matrices = jnp.take(rule_transform, rule_indices, axis=0)
    # F.normalize(rule_matrices, p=2, dim=(-2, -1)): L2 norm over last two dims jointly
    norm = jnp.sqrt(jnp.sum(rule_matrices * rule_matrices, axis=(-2, -1), keepdims=True))
    rule_matrices = rule_matrices / jnp.maximum(norm, 1e-12)
    # einsum('bsd,bsde->bse')
    out = jnp.einsum("bsd,bsde->bse", hidden_states, rule_matrices)
    return out

if __name__ == "__main__":
    import jax
    _d = setup_inputs()
    print(jax.jit(kernel)(*tuple(_d.values())))

</pallas_src>

<mosaic_0001>
#map = affine_map<(d0, d1) -> (0)>
module attributes {stable_mosaic.version = 14 : i64} {
  func.func @_rule_lookup(%arg0: i32, %arg1: i32, %arg2: memref<4096xi32, #tpu.memory_space<hbm>>, %arg3: memref<32000xi32, #tpu.memory_space<hbm>>, %arg4: memref<4096xi32, #tpu.memory_space<hbm>>, %arg5: memref<128xi32, #tpu.memory_space<vmem>>, %arg6: memref<128xi32, #tpu.memory_space<vmem>>, %arg7: memref<!tpu.dma_semaphore, #tpu.memory_space<semaphore_mem>>) attributes {dimension_semantics = [#tpu.dimension_semantics<core_parallel>, #tpu.dimension_semantics<subcore_parallel>], iteration_bounds = array<i64: 2, 16>, scalar_prefetch = 0 : i64, scratch_operands = 3 : i64, tpu.core_type = #tpu.core_type<sc_vector_subcore>, window_params = [{transform_indices = #map}, {transform_indices = #map}, {transform_indices = #map}]} {
    %mul3A = arith.constant 2 : i32
    %mul3A_0 = arith.muli %arg1, %mul3A : i32
    %add3A = arith.addi %mul3A_0, %arg0 : i32
    %mul3A_1 = arith.constant 128 : i32
    %mul3A_2 = arith.muli %add3A, %mul3A_1 : i32
    "tpu.region"() ({
      %run_scoped3A = tpu.sem_alloc : memref<!tpu.dma_semaphore, #tpu.memory_space<semaphore_mem>>
      %dma_start3A_5 = tpu.memref_slice %arg2[%mul3A_2] : memref<4096xi32, #tpu.memory_space<hbm>> -> memref<128xi32, #tpu.memory_space<hbm>>
      %dma_start3A_6 = tpu.memref_slice %arg2[%mul3A_2] : memref<4096xi32, #tpu.memory_space<hbm>> -> memref<128xi32, #tpu.memory_space<hbm>>
      tpu.enqueue_dma source(%dma_start3A_6 : memref<128xi32, #tpu.memory_space<hbm>>) target(%arg5 : memref<128xi32, #tpu.memory_space<vmem>>) target_semaphore(%run_scoped3A : memref<!tpu.dma_semaphore, #tpu.memory_space<semaphore_mem>>)
      %dma_wait3A_7 = tpu.memref_slice %arg2[%mul3A_2] : memref<4096xi32, #tpu.memory_space<hbm>> -> memref<128xi32, #tpu.memory_space<hbm>>
      %dma_wait3A_8 = tpu.memref_slice %arg2[%mul3A_2] : memref<4096xi32, #tpu.memory_space<hbm>> -> memref<128xi32, #tpu.memory_space<hbm>>
      tpu.wait_dma2 semaphore(%run_scoped3A : memref<!tpu.dma_semaphore, #tpu.memory_space<semaphore_mem>>) src(%dma_wait3A_8 : memref<128xi32, #tpu.memory_space<hbm>>) dst(%arg5 : memref<128xi32, #tpu.memory_space<vmem>>)
      tpu.yield
    }) : () -> ()
    %dma_start3A = arith.constant 0 : i32
    %dma_start3A_3 = tpu.memref_slice %arg3[%dma_start3A] : memref<32000xi32, #tpu.memory_space<hbm>> -> memref<32000xi32, #tpu.memory_space<hbm>>
    tpu.enqueue_indirect_dma source(%dma_start3A_3 : memref<32000xi32, #tpu.memory_space<hbm>>) target(%arg6 : memref<128xi32, #tpu.memory_space<vmem>>) offsets(%arg5 : memref<128xi32, #tpu.memory_space<vmem>>) semaphore(%arg7 : memref<!tpu.dma_semaphore, #tpu.memory_space<semaphore_mem>>)
    %dma_wait3A = arith.constant 0 : i32
    %dma_wait3A_4 = tpu.memref_slice %arg3[%dma_wait3A] : memref<32000xi32, #tpu.memory_space<hbm>> -> memref<32000xi32, #tpu.memory_space<hbm>>
    tpu.wait_indirect_dma semaphore(%arg7 : memref<!tpu.dma_semaphore, #tpu.memory_space<semaphore_mem>>) src(%dma_wait3A_4 : memref<32000xi32, #tpu.memory_space<hbm>>) dst(%arg6 : memref<128xi32, #tpu.memory_space<vmem>>)
    "tpu.region"() ({
      %run_scoped3A = tpu.sem_alloc : memref<!tpu.dma_semaphore, #tpu.memory_space<semaphore_mem>>
      %dma_start3A_5 = tpu.memref_slice %arg4[%mul3A_2] : memref<4096xi32, #tpu.memory_space<hbm>> -> memref<128xi32, #tpu.memory_space<hbm>>
      %dma_start3A_6 = tpu.memref_slice %arg4[%mul3A_2] : memref<4096xi32, #tpu.memory_space<hbm>> -> memref<128xi32, #tpu.memory_space<hbm>>
      tpu.enqueue_dma source(%arg6 : memref<128xi32, #tpu.memory_space<vmem>>) target(%dma_start3A_6 : memref<128xi32, #tpu.memory_space<hbm>>) target_semaphore(%run_scoped3A : memref<!tpu.dma_semaphore, #tpu.memory_space<semaphore_mem>>)
      %dma_wait3A_7 = tpu.memref_slice %arg4[%mul3A_2] : memref<4096xi32, #tpu.memory_space<hbm>> -> memref<128xi32, #tpu.memory_space<hbm>>
      %dma_wait3A_8 = tpu.memref_slice %arg4[%mul3A_2] : memref<4096xi32, #tpu.memory_space<hbm>> -> memref<128xi32, #tpu.memory_space<hbm>>
      tpu.wait_dma2 semaphore(%run_scoped3A : memref<!tpu.dma_semaphore, #tpu.memory_space<semaphore_mem>>) src(%arg6 : memref<128xi32, #tpu.memory_space<vmem>>) dst(%dma_wait3A_8 : memref<128xi32, #tpu.memory_space<hbm>>)
      tpu.yield
    }) : () -> ()
    return
  }
}

module attributes {stable_mosaic.version = 14 : i64} {
  func.func @_tc_body(%arg0: i32, %arg1: memref<1x1x1024xi32, #tpu.memory_space<vmem>>, %arg2: memref<1024x128xf32, #tpu.memory_space<vmem>>, %arg3: memref<64x128x128xf32, #tpu.memory_space<vmem>>, %arg4: memref<1024x128xf32, #tpu.memory_space<vmem>>, %arg5: memref<64x128x128xbf16, #tpu.memory_space<vmem>>) attributes {dimension_semantics = [#tpu.dimension_semantics<arbitrary>], iteration_bounds = array<i64: 4>, scalar_prefetch = 0 : i64, scratch_operands = 1 : i64, tpu.core_type = #tpu.core_type<tc>, window_params = [{transform_indices = @transform_0, window_bounds = array<i64: 1, 1, 1024>}, {transform_indices = @transform_1, window_bounds = array<i64: 1024, 128>}, {pipeline_mode = #tpu.pipeline_mode<synchronous>, transform_indices = @transform_2, window_bounds = array<i64: 64, 128, 128>}, {transform_indices = @transform_3, window_bounds = array<i64: 1024, 128>}]} {
    %eq3A = arith.constant 0 : i32
    %eq3A_0 = arith.cmpi eq, %arg0, %eq3A : i32
    %convert_element_type3A = arith.extui %eq3A_0 : i1 to i32
    %cond3A = arith.constant 0 : i32
    %cond3A_1 = arith.cmpi ne, %convert_element_type3A, %cond3A : i32
    scf.if %cond3A_1 {
      %get3A_784 = arith.constant 0 : index
      %get3A_785 = arith.constant 0 : index
      %get3A_786 = arith.constant 0 : index
      %get3A_787 = vector.load %arg3[%get3A_784, %get3A_785, %get3A_786] : memref<64x128x128xf32, #tpu.memory_space<vmem>>, vector<64x128x128xf32>
      %mul3A = arith.mulf %get3A_787, %get3A_787 : vector<64x128x128xf32>
      %reduce_sum3A = arith.constant dense<0.000000e+00> : vector<64xf32>
      %reduce_sum3A_788 = vector.multi_reduction <add>, %mul3A, %reduce_sum3A [1, 2] : vector<64x128x128xf32> to vector<64xf32>
      %sqrt3A = math.sqrt %reduce_sum3A_788 : vector<64xf32>
      %max3A = arith.constant 9.99999996E-13 : f32
      %max3A_789 = vector.broadcast %max3A : f32 to vector<64xf32>
      %max3A_790 = arith.maximumf %sqrt3A, %max3A_789 : vector<64xf32>
      %div3A = arith.constant 1.000000e+00 : f32
      %div3A_791 = vector.broadcast %div3A : f32 to vector<64xf32>
      %div3A_792 = arith.divf %div3A_791, %max3A_790 : vector<64xf32>
      %broadcast_in_dim3A_793 = vector.shape_cast %div3A_792 : vector<64xf32> to vector<64x1x1xf32>
      %mul3A_794 = vector.broadcast %broadcast_in_dim3A_793 : vector<64x1x1xf32> to vector<64x128x128xf32>
      %mul3A_795 = arith.mulf %get3A_787, %mul3A_794 : vector<64x128x128xf32>
      %convert_element_type3A_796 = arith.truncf %mul3A_795 : vector<64x128x128xf32> to vector<64x128x128xbf16>
      %swap3A_797 = arith.constant 0 : index
      %swap3A_798 = arith.constant 0 : index
      %swap3A_799 = arith.constant 0 : index
      %swap3A_800 = vector.load %arg5[%swap3A_797, %swap3A_798, %swap3A_799] : memref<64x128x128xbf16, #tpu.memory_space<vmem>>, vector<64x128x128xbf16>
      tpu.vector_store %arg5[%swap3A_797, %swap3A_798, %swap3A_799], %convert_element_type3A_796 {strides = array<i32>} : memref<64x128x128xbf16, #tpu.memory_space<vmem>>, vector<64x128x128xbf16>,
    } else {
    }
    %get3A = arith.constant 0 : index
    %get3A_2 = arith.constant 0 : index
    %get3A_3 = vector.load %arg2[%get3A, %get3A_2] : memref<1024x128xf32, #tpu.memory_space<vmem>>, vector<1024x128xf32>
    %convert_element_type3A_4 = arith.truncf %get3A_3 : vector<1024x128xf32> to vector<1024x128xbf16>
    %get3A_5 = arith.constant 0 : index
    %get3A_6 = arith.constant 0 : index
    %get3A_7 = arith.constant 0 : index
    %get3A_8 = vector.load %arg1[%get3A_5, %get3A_6, %get3A_7] : memref<1x1x1024xi32, #tpu.memory_space<vmem>>, vector<1x1x1024xi32>
    %get3A_9 = vector.shape_cast %get3A_8 : vector<1x1x1024xi32> to vector<1024xi32>
    %convert_element_type3A_10 = arith.sitofp %get3A_9 : vector<1024xi32> to vector<1024xbf16>
    %broadcast_in_dim3A = vector.shape_cast %convert_element_type3A_10 : vector<1024xbf16> to vector<1024x1xbf16>
    %broadcast_in_dim3A_11 = vector.shape_cast %broadcast_in_dim3A : vector<1024x1xbf16> to vector<1024x1xbf16>
    %broadcast_in_dim3A_12 = vector.broadcast %broadcast_in_dim3A_11 : vector<1024x1xbf16> to vector<1024x128xbf16>
    %broadcast_in_dim3A_13 = arith.constant 0.000000e+00 : bf16
    %broadcast_in_dim3A_14 = vector.broadcast %broadcast_in_dim3A_13 : bf16 to vector<1024x128xbf16>
    %broadcast_in_dim3A_15 = arith.constant 0.000000e+00 : f32
    %broadcast_in_dim3A_16 = vector.broadcast %broadcast_in_dim3A_15 : f32 to vector<1024x128xf32>
    %eq3A_17 = arith.constant 0.000000e+00 : bf16
    %eq3A_18 = vector.broadcast %eq3A_17 : bf16 to vector<1024x128xbf16>
    %eq3A_19 = arith.cmpf oeq, %broadcast_in_dim3A_12, %eq3A_18 : vector<1024x128xbf16>
    %select_n3A = arith.select %eq3A_19, %convert_element_type3A_4, %broadcast_in_dim3A_14 : vector<1024x128xi1>, vector<1024x128xbf16>
    %get3A_20 = arith.constant 0 : index
    %get3A_21 = arith.constant 0 : index
    %get3A_22 = arith.constant 0 : index
    %get3A_23 = vector.load %arg5[%get3A_20, %get3A_21, %get3A_22] : memref<64x128x128xbf16, #tpu.memory_space<vmem>>, vector<1x128x128xbf16>
    %get3A_24 = vector.shape_cast %get3A_23 : vector<1x128x128xbf16> to vector<128x128xbf16>
    %dot_general3A = arith.constant dense<0.000000e+00> : vector<1024x128xf32>
    %dot_general3A_25 = tpu.matmul %select_n3A, %get3A_24, %dot_general3A {dimension_numbers = #tpu.dot_dimension_numbers<[1], [0], [0], [1], [0, 0, 1, 1], [], []>, transpose_lhs_hint = false} : vector<1024x128xbf16>, vector<128x128xbf16>, vector<1024x128xf32> -> vector<1024x128xf32>
    %add3A = arith.addf %broadcast_in_dim3A_16, %dot_general3A_25 : vector<1024x128xf32>
    %eq3A_26 = arith.constant 1.000000e+00 : bf16
    %eq3A_27 = vector.broadcast %eq3A_26 : bf16 to vector<1024x128xbf16>
    %eq3A_28 = arith.cmpf oeq, %broadcast_in_dim3A_12, %eq3A_27 : vector<1024x128xbf16>
    %select_n3A_29 = arith.select %eq3A_28, %convert_element_type3A_4, %broadcast_in_dim3A_14 : vector<1024x128xi1>, vector<1024x128xbf16>
    %get3A_30 = arith.constant 1 : index
    %get3A_31 = arith.constant 0 : index
    %get3A_32 = arith.constant 0 : index
    %get3A_33 = vector.load %arg5[%get3A_30, %get3A_31, %get3A_32] : memref<64x128x128xbf16, #tpu.memory_space<vmem>>, vector<1x128x128xbf16>
    %get3A_34 = vector.shape_cast %get3A_33 : vector<1x128x128xbf16> to vector<128x128xbf16>
    %dot_general3A_35 = arith.constant dense<0.000000e+00> : vector<1024x128xf32>
    %dot_general3A_36 = tpu.matmul %select_n3A_29, %get3A_34, %dot_general3A_35 {dimension_numbers = #tpu.dot_dimension_numbers<[1], [0], [0], [1], [0, 0, 1, 1], [], []>, transpose_lhs_hint = false} : vector<1024x128xbf16>, vector<128x128xbf16>, vector<1024x128xf32> -> vector<1024x128xf32>
    %add3A_37 = arith.addf %add3A, %dot_general3A_36 : vector<1024x128xf32>
    %eq3A_38 = arith.constant 2.000000e+00 : bf16
    %eq3A_39 = vector.broadcast %eq3A_38 : bf16 to vector<1024x128xbf16>
    %eq3A_40 = arith.cmpf oeq, %broadcast_in_dim3A_12, %eq3A_39 : vector<1024x128xbf16>
    %select_n3A_41 = arith.select %eq3A_40, %convert_element_type3A_4, %broadcast_in_dim3A_14 : vector<1024x128xi1>, vector<1024x128xbf16>
    %get3A_42 = arith.constant 2 : index
    %get3A_43 = arith.constant 0 : index
    %get3A_44 = arith.constant 0 : index
    %get3A_45 = vector.load %arg5[%get3A_42, %get3A_43, %get3A_44] : memref<64x128x128xbf16, #tpu.memory_space<vmem>>, vector<1x128x128xbf16>
    %get3A_46 = vector.shape_cast %get3A_45 : vector<1x128x128xbf16> to vector<128x128xbf16>
    %dot_general3A_47 = arith.constant dense<0.000000e+00> : vector<1024x128xf32>
    %dot_general3A_48 = tpu.matmul %select_n3A_41, %get3A_46, %dot_general3A_47 {dimension_numbers = #tpu.dot_dimension_numbers<[1], [0], [0], [1], [0, 0, 1, 1], [], []>, transpose_lhs_hint = false} : vector<1024x128xbf16>, vector<128x128xbf16>, vector<1024x128xf32> -> vector<1024x128xf32>
    %add3A_49 = arith.addf %add3A_37, %dot_general3A_48 : vector<1024x128xf32>
    %eq3A_50 = arith.constant 3.000000e+00 : bf16
    %eq3A_51 = vector.broadcast %eq3A_50 : bf16 to vector<1024x128xbf16>
    %eq3A_52 = arith.cmpf oeq, %broadcast_in_dim3A_12, %eq3A_51 : vector<1024x128xbf16>
    %select_n3A_53 = arith.select %eq3A_52, %convert_element_type3A_4, %broadcast_in_dim3A_14 : vector<1024x128xi1>, vector<1024x128xbf16>
    %get3A_54 = arith.constant 3 : index
    %get3A_55 = arith.constant 0 : index
    %get3A_56 = arith.constant 0 : index
    %get3A_57 = vector.load %arg5[%get3A_54, %get3A_55, %get3A_56] : memref<64x128x128xbf16, #tpu.memory_space<vmem>>, vector<1x128x128xbf16>
    %get3A_58 = vector.shape_cast %get3A_57 : vector<1x128x128xbf16> to vector<128x128xbf16>
    %dot_general3A_59 = arith.constant dense<0.000000e+00> : vector<1024x128xf32>
    %dot_general3A_60 = tpu.matmul %select_n3A_53, %get3A_58, %dot_general3A_59 {dimension_numbers = #tpu.dot_dimension_numbers<[1], [0], [0], [1], [0, 0, 1, 1], [], []>, transpose_lhs_hint = false} : vector<1024x128xbf16>, vector<128x128xbf16>, vector<1024x128xf32> -> vector<1024x128xf32>
    %add3A_61 = arith.addf %add3A_49, %dot_general3A_60 : vector<1024x128xf32>
    %eq3A_62 = arith.constant 4.000000e+00 : bf16
    %eq3A_63 = vector.broadcast %eq3A_62 : bf16 to vector<1024x128xbf16>
    %eq3A_64 = arith.cmpf oeq, %broadcast_in_dim3A_12, %eq3A_63 : vector<1024x128xbf16>
    %select_n3A_65 = arith.select %eq3A_64, %convert_element_type3A_4, %broadcast_in_dim3A_14 : vector<1024x128xi1>, vector<1024x128xbf16>
    %get3A_66 = arith.constant 4 : index
    %get3A_67 = arith.constant 0 : index
    %get3A_68 = arith.constant 0 : index
    %get3A_69 = vector.load %arg5[%get3A_66, %get3A_67, %get3A_68] : memref<64x128x128xbf16, #tpu.memory_space<vmem>>, vector<1x128x128xbf16>
    %get3A_70 = vector.shape_cast %get3A_69 : vector<1x128x128xbf16> to vector<128x128xbf16>
    %dot_general3A_71 = arith.constant dense<0.000000e+00> : vector<1024x128xf32>
    %dot_general3A_72 = tpu.matmul %select_n3A_65, %get3A_70, %dot_general3A_71 {dimension_numbers = #tpu.dot_dimension_numbers<[1], [0], [0], [1], [0, 0, 1, 1], [], []>, transpose_lhs_hint = false} : vector<1024x128xbf16>, vector<128x128xbf16>, vector<1024x128xf32> -> vector<1024x128xf32>
    %add3A_73 = arith.addf %add3A_61, %dot_general3A_72 : vector<1024x128xf32>
    %eq3A_74 = arith.constant 5.000000e+00 : bf16
    %eq3A_75 = vector.broadcast %eq3A_74 : bf16 to vector<1024x128xbf16>
    %eq3A_76 = arith.cmpf oeq, %broadcast_in_dim3A_12, %eq3A_75 : vector<1024x128xbf16>
    %select_n3A_77 = arith.select %eq3A_76, %convert_element_type3A_4, %broadcast_in_dim3A_14 : vector<1024x128xi1>, vector<1024x128xbf16>
    %get3A_78 = arith.constant 5 : index
    %get3A_79 = arith.constant 0 : index
    %get3A_80 = arith.constant 0 : index
    %get3A_81 = vector.load %arg5[%get3A_78, %get3A_79, %get3A_80] : memref<64x128x128xbf16, #tpu.memory_space<vmem>>, vector<1x128x128xbf16>
    %get3A_82 = vector.shape_cast %get3A_81 : vector<1x128x128xbf16> to vector<128x128xbf16>
    %dot_general3A_83 = arith.constant dense<0.000000e+00> : vector<1024x128xf32>
    %dot_general3A_84 = tpu.matmul %select_n3A_77, %get3A_82, %dot_general3A_83 {dimension_numbers = #tpu.dot_dimension_numbers<[1], [0], [0], [1], [0, 0, 1, 1], [], []>, transpose_lhs_hint = false} : vector<1024x128xbf16>, vector<128x128xbf16>, vector<1024x128xf32> -> vector<1024x128xf32>
    %add3A_85 = arith.addf %add3A_73, %dot_general3A_84 : vector<1024x128xf32>
    %eq3A_86 = arith.constant 6.000000e+00 : bf16
    %eq3A_87 = vector.broadcast %eq3A_86 : bf16 to vector<1024x128xbf16>
    %eq3A_88 = arith.cmpf oeq, %broadcast_in_dim3A_12, %eq3A_87 : vector<1024x128xbf16>
    %select_n3A_89 = arith.select %eq3A_88, %convert_element_type3A_4, %broadcast_in_dim3A_14 : vector<1024x128xi1>, vector<1024x128xbf16>
    %get3A_90 = arith.constant 6 : index
    %get3A_91 = arith.constant 0 : index
    %get3A_92 = arith.constant 0 : index
    %get3A_93 = vector.load %arg5[%get3A_90, %get3A_91, %get3A_92] : memref<64x128x128xbf16, #tpu.memory_space<vmem>>, vector<1x128x128xbf16>
    %get3A_94 = vector.shape_cast %get3A_93 : vector<1x128x128xbf16> to vector<128x128xbf16>
    %dot_general3A_95 = arith.constant dense<0.000000e+00> : vector<1024x128xf32>
    %dot_general3A_96 = tpu.matmul %select_n3A_89, %get3A_94, %dot_general3A_95 {dimension_numbers = #tpu.dot_dimension_numbers<[1], [0], [0], [1], [0, 0, 1, 1], [], []>, transpose_lhs_hint = false} : vector<1024x128xbf16>, vector<128x128xbf16>, vector<1024x128xf32> -> vector<1024x128xf32>
    %add3A_97 = arith.addf %add3A_85, %dot_general3A_96 : vector<1024x128xf32>
    %eq3A_98 = arith.constant 7.000000e+00 : bf16
    %eq3A_99 = vector.broadcast %eq3A_98 : bf16 to vector<1024x128xbf16>
    %eq3A_100 = arith.cmpf oeq, %broadcast_in_dim3A_12, %eq3A_99 : vector<1024x128xbf16>
    %select_n3A_101 = arith.select %eq3A_100, %convert_element_type3A_4, %broadcast_in_dim3A_14 : vector<1024x128xi1>, vector<1024x128xbf16>
    %get3A_102 = arith.constant 7 : index
    %get3A_103 = arith.constant 0 : index
    %get3A_104 = arith.constant 0 : index
    %get3A_105 = vector.load %arg5[%get3A_102, %get3A_103, %get3A_104] : memref<64x128x128xbf16, #tpu.memory_space<vmem>>, vector<1x128x128xbf16>
    %get3A_106 = vector.shape_cast %get3A_105 : vector<1x128x128xbf16> to vector<128x128xbf16>
    %dot_general3A_107 = arith.constant dense<0.000000e+00> : vector<1024x128xf32>
    %dot_general3A_108 = tpu.matmul %select_n3A_101, %get3A_106, %dot_general3A_107 {dimension_numbers = #tpu.dot_dimension_numbers<[1], [0], [0], [1], [0, 0, 1, 1], [], []>, transpose_lhs_hint = false} : vector<1024x128xbf16>, vector<128x128xbf16>, vector<1024x128xf32> -> vector<1024x128xf32>
    %add3A_109 = arith.addf %add3A_97, %dot_general3A_108 : vector<1024x128xf32>
    %eq3A_110 = arith.constant 8.000000e+00 : bf16
    %eq3A_111 = vector.broadcast %eq3A_110 : bf16 to vector<1024x128xbf16>
    %eq3A_112 = arith.cmpf oeq, %broadcast_in_dim3A_12, %eq3A_111 : vector<1024x128xbf16>
    %select_n3A_113 = arith.select %eq3A_112, %convert_element_type3A_4, %broadcast_in_dim3A_14 : vector<1024x128xi1>, vector<1024x128xbf16>
    %get3A_114 = arith.constant 8 : index
    %get3A_115 = arith.constant 0 : index
    %get3A_116 = arith.constant 0 : index
    %get3A_117 = vector.load %arg5[%get3A_114, %get3A_115, %get3A_116] : memref<64x128x128xbf16, #tpu.memory_space<vmem>>, vector<1x128x128xbf16>
    %get3A_118 = vector.shape_cast %get3A_117 : vector<1x128x128xbf16> to vector<128x128xbf16>
    %dot_general3A_119 = arith.constant dense<0.000000e+00> : vector<1024x128xf32>
    %dot_general3A_120 = tpu.matmul %select_n3A_113, %get3A_118, %dot_general3A_119 {dimension_numbers = #tpu.dot_dimension_numbers<[1], [0], [0], [1], [0, 0, 1, 1], [], []>, transpose_lhs_hint = false} : vector<1024x128xbf16>, vector<128x128xbf16>, vector<1024x128xf32> -> vector<1024x128xf32>
    %add3A_121 = arith.addf %add3A_109, %dot_general3A_120 : vector<1024x128xf32>
    %eq3A_122 = arith.constant 9.000000e+00 : bf16
    %eq3A_123 = vector.broadcast %eq3A_122 : bf16 to vector<1024x128xbf16>
    %eq3A_124 = arith.cmpf oeq, %broadcast_in_dim3A_12, %eq3A_123 : vector<1024x128xbf16>
    %select_n3A_125 = arith.select %eq3A_124, %convert_element_type3A_4, %broadcast_in_dim3A_14 : vector<1024x128xi1>, vector<1024x128xbf16>
    %get3A_126 = arith.constant 9 : index
    %get3A_127 = arith.constant 0 : index
    %get3A_128 = arith.constant 0 : index
    %get3A_129 = vector.load %arg5[%get3A_126, %get3A_127, %get3A_128] : memref<64x128x128xbf16, #tpu.memory_space<vmem>>, vector<1x128x128xbf16>
    %get3A_130 = vector.shape_cast %get3A_129 : vector<1x128x128xbf16> to vector<128x128xbf16>
    %dot_general3A_131 = arith.constant dense<0.000000e+00> : vector<1024x128xf32>
    %dot_general3A_132 = tpu.matmul %select_n3A_125, %get3A_130, %dot_general3A_131 {dimension_numbers = #tpu.dot_dimension_numbers<[1], [0], [0], [1], [0, 0, 1, 1], [], []>, transpose_lhs_hint = false} : vector<1024x128xbf16>, vector<128x128xbf16>, vector<1024x128xf32> -> vector<1024x128xf32>
    %add3A_133 = arith.addf %add3A_121, %dot_general3A_132 : vector<1024x128xf32>
    %eq3A_134 = arith.constant 1.000000e+01 : bf16
    %eq3A_135 = vector.broadcast %eq3A_134 : bf16 to vector<1024x128xbf16>
    %eq3A_136 = arith.cmpf oeq, %broadcast_in_dim3A_12, %eq3A_135 : vector<1024x128xbf16>
    %select_n3A_137 = arith.select %eq3A_136, %convert_element_type3A_4, %broadcast_in_dim3A_14 : vector<1024x128xi1>, vector<1024x128xbf16>
    %get3A_138 = arith.constant 10 : index
    %get3A_139 = arith.constant 0 : index
    %get3A_140 = arith.constant 0 : index
    %get3A_141 = vector.load %arg5[%get3A_138, %get3A_139, %get3A_140] : memref<64x128x128xbf16, #tpu.memory_space<vmem>>, vector<1x128x128xbf16>
    %get3A_142 = vector.shape_cast %get3A_141 : vector<1x128x128xbf16> to vector<128x128xbf16>
    %dot_general3A_143 = arith.constant dense<0.000000e+00> : vector<1024x128xf32>
    %dot_general3A_144 = tpu.matmul %select_n3A_137, %get3A_142, %dot_general3A_143 {dimension_numbers = #tpu.dot_dimension_numbers<[1], [0], [0], [1], [0, 0, 1, 1], [], []>, transpose_lhs_hint = false} : vector<1024x128xbf16>, vector<128x128xbf16>, vector<1024x128xf32> -> vector<1024x128xf32>
    %add3A_145 = arith.addf %add3A_133, %dot_general3A_144 : vector<1024x128xf32>
    %eq3A_146 = arith.constant 1.100000e+01 : bf16
    %eq3A_147 = vector.broadcast %eq3A_146 : bf16 to vector<1024x128xbf16>
    %eq3A_148 = arith.cmpf oeq, %broadcast_in_dim3A_12, %eq3A_147 : vector<1024x128xbf16>
    %select_n3A_149 = arith.select %eq3A_148, %convert_element_type3A_4, %broadcast_in_dim3A_14 : vector<1024x128xi1>, vector<1024x128xbf16>
    %get3A_150 = arith.constant 11 : index
    %get3A_151 = arith.constant 0 : index
    %get3A_152 = arith.constant 0 : index
    %get3A_153 = vector.load %arg5[%get3A_150, %get3A_151, %get3A_152] : memref<64x128x128xbf16, #tpu.memory_space<vmem>>, vector<1x128x128xbf16>
    %get3A_154 = vector.shape_cast %get3A_153 : vector<1x128x128xbf16> to vector<128x128xbf16>
    %dot_general3A_155 = arith.constant dense<0.000000e+00> : vector<1024x128xf32>
    %dot_general3A_156 = tpu.matmul %select_n3A_149, %get3A_154, %dot_general3A_155 {dimension_numbers = #tpu.dot_dimension_numbers<[1], [0], [0], [1], [0, 0, 1, 1], [], []>, transpose_lhs_hint = false} : vector<1024x128xbf16>, vector<128x128xbf16>, vector<1024x128xf32> -> vector<1024x128xf32>
    %add3A_157 = arith.addf %add3A_145, %dot_general3A_156 : vector<1024x128xf32>
    %eq3A_158 = arith.constant 1.200000e+01 : bf16
    %eq3A_159 = vector.broadcast %eq3A_158 : bf16 to vector<1024x128xbf16>
    %eq3A_160 = arith.cmpf oeq, %broadcast_in_dim3A_12, %eq3A_159 : vector<1024x128xbf16>
    %select_n3A_161 = arith.select %eq3A_160, %convert_element_type3A_4, %broadcast_in_dim3A_14 : vector<1024x128xi1>, vector<1024x128xbf16>
    %get3A_162 = arith.constant 12 : index
    %get3A_163 = arith.constant 0 : index
    %get3A_164 = arith.constant 0 : index
    %get3A_165 = vector.load %arg5[%get3A_162, %get3A_163, %get3A_164] : memref<64x128x128xbf16, #tpu.memory_space<vmem>>, vector<1x128x128xbf16>
    %get3A_166 = vector.shape_cast %get3A_165 : vector<1x128x128xbf16> to vector<128x128xbf16>
    %dot_general3A_167 = arith.constant dense<0.000000e+00> : vector<1024x128xf32>
    %dot_general3A_168 = tpu.matmul %select_n3A_161, %get3A_166, %dot_general3A_167 {dimension_numbers = #tpu.dot_dimension_numbers<[1], [0], [0], [1], [0, 0, 1, 1], [], []>, transpose_lhs_hint = false} : vector<1024x128xbf16>, vector<128x128xbf16>, vector<1024x128xf32> -> vector<1024x128xf32>
    %add3A_169 = arith.addf %add3A_157, %dot_general3A_168 : vector<1024x128xf32>
    %eq3A_170 = arith.constant 1.300000e+01 : bf16
    %eq3A_171 = vector.broadcast %eq3A_170 : bf16 to vector<1024x128xbf16>
    %eq3A_172 = arith.cmpf oeq, %broadcast_in_dim3A_12, %eq3A_171 : vector<1024x128xbf16>
    %select_n3A_173 = arith.select %eq3A_172, %convert_element_type3A_4, %broadcast_in_dim3A_14 : vector<1024x128xi1>, vector<1024x128xbf16>
    %get3A_174 = arith.constant 13 : index
    %get3A_175 = arith.constant 0 : index
    %get3A_176 = arith.constant 0 : index
    %get3A_177 = vector.load %arg5[%get3A_174, %get3A_175, %get3A_176] : memref<64x128x128xbf16, #tpu.memory_space<vmem>>, vector<1x128x128xbf16>
    %get3A_178 = vector.shape_cast %get3A_177 : vector<1x128x128xbf16> to vector<128x128xbf16>
    %dot_general3A_179 = arith.constant dense<0.000000e+00> : vector<1024x128xf32>
    %dot_general3A_180 = tpu.matmul %select_n3A_173, %get3A_178, %dot_general3A_179 {dimension_numbers = #tpu.dot_dimension_numbers<[1], [0], [0], [1], [0, 0, 1, 1], [], []>, transpose_lhs_hint = false} : vector<1024x128xbf16>, vector<128x128xbf16>, vector<1024x128xf32> -> vector<1024x128xf32>
    %add3A_181 = arith.addf %add3A_169, %dot_general3A_180 : vector<1024x128xf32>
    %eq3A_182 = arith.constant 1.400000e+01 : bf16
    %eq3A_183 = vector.broadcast %eq3A_182 : bf16 to vector<1024x128xbf16>
    %eq3A_184 = arith.cmpf oeq, %broadcast_in_dim3A_12, %eq3A_183 : vector<1024x128xbf16>
    %select_n3A_185 = arith.select %eq3A_184, %convert_element_type3A_4, %broadcast_in_dim3A_14 : vector<1024x128xi1>, vector<1024x128xbf16>
    %get3A_186 = arith.constant 14 : index
    %get3A_187 = arith.constant 0 : index
    %get3A_188 = arith.constant 0 : index
    %get3A_189 = vector.load %arg5[%get3A_186, %get3A_187, %get3A_188] : memref<64x128x128xbf16, #tpu.memory_space<vmem>>, vector<1x128x128xbf16>
    %get3A_190 = vector.shape_cast %get3A_189 : vector<1x128x128xbf16> to vector<128x128xbf16>
    %dot_general3A_191 = arith.constant dense<0.000000e+00> : vector<1024x128xf32>
    %dot_general3A_192 = tpu.matmul %select_n3A_185, %get3A_190, %dot_general3A_191 {dimension_numbers = #tpu.dot_dimension_numbers<[1], [0], [0], [1], [0, 0, 1, 1], [], []>, transpose_lhs_hint = false} : vector<1024x128xbf16>, vector<128x128xbf16>, vector<1024x128xf32> -> vector<1024x128xf32>
    %add3A_193 = arith.addf %add3A_181, %dot_general3A_192 : vector<1024x128xf32>
    %eq3A_194 = arith.constant 1.500000e+01 : bf16
    %eq3A_195 = vector.broadcast %eq3A_194 : bf16 to vector<1024x128xbf16>
    %eq3A_196 = arith.cmpf oeq, %broadcast_in_dim3A_12, %eq3A_195 : vector<1024x128xbf16>
    %select_n3A_197 = arith.select %eq3A_196, %convert_element_type3A_4, %broadcast_in_dim3A_14 : vector<1024x128xi1>, vector<1024x128xbf16>
    %get3A_198 = arith.constant 15 : index
    %get3A_199 = arith.constant 0 : index
    %get3A_200 = arith.constant 0 : index
    %get3A_201 = vector.load %arg5[%get3A_198, %get3A_199, %get3A_200] : memref<64x128x128xbf16, #tpu.memory_space<vmem>>, vector<1x128x128xbf16>
    %get3A_202 = vector.shape_cast %get3A_201 : vector<1x128x128xbf16> to vector<128x128xbf16>
    %dot_general3A_203 = arith.constant dense<0.000000e+00> : vector<1024x128xf32>
    %dot_general3A_204 = tpu.matmul %select_n3A_197, %get3A_202, %dot_general3A_203 {dimension_numbers = #tpu.dot_dimension_numbers<[1], [0], [0], [1], [0, 0, 1, 1], [], []>, transpose_lhs_hint = false} : vector<1024x128xbf16>, vector<128x128xbf16>, vector<1024x128xf32> -> vector<1024x128xf32>
    %add3A_205 = arith.addf %add3A_193, %dot_general3A_204 : vector<1024x128xf32>
    %eq3A_206 = arith.constant 1.600000e+01 : bf16
    %eq3A_207 = vector.broadcast %eq3A_206 : bf16 to vector<1024x128xbf16>
    %eq3A_208 = arith.cmpf oeq, %broadcast_in_dim3A_12, %eq3A_207 : vector<1024x128xbf16>
    %select_n3A_209 = arith.select %eq3A_208, %convert_element_type3A_4, %broadcast_in_dim3A_14 : vector<1024x128xi1>, vector<1024x128xbf16>
    %get3A_210 = arith.constant 16 : index
    %get3A_211 = arith.constant 0 : index
    %get3A_212 = arith.constant 0 : index
    %get3A_213 = vector.load %arg5[%get3A_210, %get3A_211, %get3A_212] : memref<64x128x128xbf16, #tpu.memory_space<vmem>>, vector<1x128x128xbf16>
    %get3A_214 = vector.shape_cast %get3A_213 : vector<1x128x128xbf16> to vector<128x128xbf16>
    %dot_general3A_215 = arith.constant dense<0.000000e+00> : vector<1024x128xf32>
    %dot_general3A_216 = tpu.matmul %select_n3A_209, %get3A_214, %dot_general3A_215 {dimension_numbers = #tpu.dot_dimension_numbers<[1], [0], [0], [1], [0, 0, 1, 1], [], []>, transpose_lhs_hint = false} : vector<1024x128xbf16>, vector<128x128xbf16>, vector<1024x128xf32> -> vector<1024x128xf32>
    %add3A_217 = arith.addf %add3A_205, %dot_general3A_216 : vector<1024x128xf32>
    %eq3A_218 = arith.constant 1.700000e+01 : bf16
    %eq3A_219 = vector.broadcast %eq3A_218 : bf16 to vector<1024x128xbf16>
    %eq3A_220 = arith.cmpf oeq, %broadcast_in_dim3A_12, %eq3A_219 : vector<1024x128xbf16>
    %select_n3A_221 = arith.select %eq3A_220, %convert_element_type3A_4, %broadcast_in_dim3A_14 : vector<1024x128xi1>, vector<1024x128xbf16>
    %get3A_222 = arith.constant 17 : index
    %get3A_223 = arith.constant 0 : index
    %get3A_224 = arith.constant 0 : index
    %get3A_225 = vector.load %arg5[%get3A_222, %get3A_223, %get3A_224] : memref<64x128x128xbf16, #tpu.memory_space<vmem>>, vector<1x128x128xbf16>
    %get3A_226 = vector.shape_cast %get3A_225 : vector<1x128x128xbf16> to vector<128x128xbf16>
    %dot_general3A_227 = arith.constant dense<0.000000e+00> : vector<1024x128xf32>
    %dot_general3A_228 = tpu.matmul %select_n3A_221, %get3A_226, %dot_general3A_227 {dimension_numbers = #tpu.dot_dimension_numbers<[1], [0], [0], [1], [0, 0, 1, 1], [], []>, transpose_lhs_hint = false} : vector<1024x128xbf16>, vector<128x128xbf16>, vector<1024x128xf32> -> vector<1024x128xf32>
    %add3A_229 = arith.addf %add3A_217, %dot_general3A_228 : vector<1024x128xf32>
    %eq3A_230 = arith.constant 1.800000e+01 : bf16
    %eq3A_231 = vector.broadcast %eq3A_230 : bf16 to vector<1024x128xbf16>
    %eq3A_232 = arith.cmpf oeq, %broadcast_in_dim3A_12, %eq3A_231 : vector<1024x128xbf16>
    %select_n3A_233 = arith.select %eq3A_232, %convert_element_type3A_4, %broadcast_in_dim3A_14 : vector<1024x128xi1>, vector<1024x128xbf16>
    %get3A_234 = arith.constant 18 : index
    %get3A_235 = arith.constant 0 : index
    %get3A_236 = arith.constant 0 : index
    %get3A_237 = vector.load %arg5[%get3A_234, %get3A_235, %get3A_236] : memref<64x128x128xbf16, #tpu.memory_space<vmem>>, vector<1x128x128xbf16>
    %get3A_238 = vector.shape_cast %get3A_237 : vector<1x128x128xbf16> to vector<128x128xbf16>
    %dot_general3A_239 = arith.constant dense<0.000000e+00> : vector<1024x128xf32>
    %dot_general3A_240 = tpu.matmul %select_n3A_233, %get3A_238, %dot_general3A_239 {dimension_numbers = #tpu.dot_dimension_numbers<[1], [0], [0], [1], [0, 0, 1, 1], [], []>, transpose_lhs_hint = false} : vector<1024x128xbf16>, vector<128x128xbf16>, vector<1024x128xf32> -> vector<1024x128xf32>
    %add3A_241 = arith.addf %add3A_229, %dot_general3A_240 : vector<1024x128xf32>
    %eq3A_242 = arith.constant 1.900000e+01 : bf16
    %eq3A_243 = vector.broadcast %eq3A_242 : bf16 to vector<1024x128xbf16>
    %eq3A_244 = arith.cmpf oeq, %broadcast_in_dim3A_12, %eq3A_243 : vector<1024x128xbf16>
    %select_n3A_245 = arith.select %eq3A_244, %convert_element_type3A_4, %broadcast_in_dim3A_14 : vector<1024x128xi1>, vector<1024x128xbf16>
    %get3A_246 = arith.constant 19 : index
    %get3A_247 = arith.constant 0 : index
    %get3A_248 = arith.constant 0 : index
    %get3A_249 = vector.load %arg5[%get3A_246, %get3A_247, %get3A_248] : memref<64x128x128xbf16, #tpu.memory_space<vmem>>, vector<1x128x128xbf16>
    %get3A_250 = vector.shape_cast %get3A_249 : vector<1x128x128xbf16> to vector<128x128xbf16>
    %dot_general3A_251 = arith.constant dense<0.000000e+00> : vector<1024x128xf32>
    %dot_general3A_252 = tpu.matmul %select_n3A_245, %get3A_250, %dot_general3A_251 {dimension_numbers = #tpu.dot_dimension_numbers<[1], [0], [0], [1], [0, 0, 1, 1], [], []>, transpose_lhs_hint = false} : vector<1024x128xbf16>, vector<128x128xbf16>, vector<1024x128xf32> -> vector<1024x128xf32>
    %add3A_253 = arith.addf %add3A_241, %dot_general3A_252 : vector<1024x128xf32>
    %eq3A_254 = arith.constant 2.000000e+01 : bf16
    %eq3A_255 = vector.broadcast %eq3A_254 : bf16 to vector<1024x128xbf16>
    %eq3A_256 = arith.cmpf oeq, %broadcast_in_dim3A_12, %eq3A_255 : vector<1024x128xbf16>
    %select_n3A_257 = arith.select %eq3A_256, %convert_element_type3A_4, %broadcast_in_dim3A_14 : vector<1024x128xi1>, vector<1024x128xbf16>
    %get3A_258 = arith.constant 20 : index
    %get3A_259 = arith.constant 0 : index
    %get3A_260 = arith.constant 0 : index
    %get3A_261 = vector.load %arg5[%get3A_258, %get3A_259, %get3A_260] : memref<64x128x128xbf16, #tpu.memory_space<vmem>>, vector<1x128x128xbf16>
    %get3A_262 = vector.shape_cast %get3A_261 : vector<1x128x128xbf16> to vector<128x128xbf16>
    %dot_general3A_263 = arith.constant dense<0.000000e+00> : vector<1024x128xf32>
    %dot_general3A_264 = tpu.matmul %select_n3A_257, %get3A_262, %dot_general3A_263 {dimension_numbers = #tpu.dot_dimension_numbers<[1], [0], [0], [1], [0, 0, 1, 1], [], []>, transpose_lhs_hint = false} : vector<1024x128xbf16>, vector<128x128xbf16>, vector<1024x128xf32> -> vector<1024x128xf32>
    %add3A_265 = arith.addf %add3A_253, %dot_general3A_264 : vector<1024x128xf32>
    %eq3A_266 = arith.constant 2.100000e+01 : bf16
    %eq3A_267 = vector.broadcast %eq3A_266 : bf16 to vector<1024x128xbf16>
    %eq3A_268 = arith.cmpf oeq, %broadcast_in_dim3A_12, %eq3A_267 : vector<1024x128xbf16>
    %select_n3A_269 = arith.select %eq3A_268, %convert_element_type3A_4, %broadcast_in_dim3A_14 : vector<1024x128xi1>, vector<1024x128xbf16>
    %get3A_270 = arith.constant 21 : index
    %get3A_271 = arith.constant 0 : index
    %get3A_272 = arith.constant 0 : index
    %get3A_273 = vector.load %arg5[%get3A_270, %get3A_271, %get3A_272] : memref<64x128x128xbf16, #tpu.memory_space<vmem>>, vector<1x128x128xbf16>
    %get3A_274 = vector.shape_cast %get3A_273 : vector<1x128x128xbf16> to vector<128x128xbf16>
    %dot_general3A_275 = arith.constant dense<0.000000e+00> : vector<1024x128xf32>
    %dot_general3A_276 = tpu.matmul %select_n3A_269, %get3A_274, %dot_general3A_275 {dimension_numbers = #tpu.dot_dimension_numbers<[1], [0], [0], [1], [0, 0, 1, 1], [], []>, transpose_lhs_hint = false} : vector<1024x128xbf16>, vector<128x128xbf16>, vector<1024x128xf32> -> vector<1024x128xf32>
    %add3A_277 = arith.addf %add3A_265, %dot_general3A_276 : vector<1024x128xf32>
    %eq3A_278 = arith.constant 2.200000e+01 : bf16
    %eq3A_279 = vector.broadcast %eq3A_278 : bf16 to vector<1024x128xbf16>
    %eq3A_280 = arith.cmpf oeq, %broadcast_in_dim3A_12, %eq3A_279 : vector<1024x128xbf16>
    %select_n3A_281 = arith.select %eq3A_280, %convert_element_type3A_4, %broadcast_in_dim3A_14 : vector<1024x128xi1>, vector<1024x128xbf16>
    %get3A_282 = arith.constant 22 : index
    %get3A_283 = arith.constant 0 : index
    %get3A_284 = arith.constant 0 : index
    %get3A_285 = vector.load %arg5[%get3A_282, %get3A_283, %get3A_284] : memref<64x128x128xbf16, #tpu.memory_space<vmem>>, vector<1x128x128xbf16>
    %get3A_286 = vector.shape_cast %get3A_285 : vector<1x128x128xbf16> to vector<128x128xbf16>
    %dot_general3A_287 = arith.constant dense<0.000000e+00> : vector<1024x128xf32>
    %dot_general3A_288 = tpu.matmul %select_n3A_281, %get3A_286, %dot_general3A_287 {dimension_numbers = #tpu.dot_dimension_numbers<[1], [0], [0], [1], [0, 0, 1, 1], [], []>, transpose_lhs_hint = false} : vector<1024x128xbf16>, vector<128x128xbf16>, vector<1024x128xf32> -> vector<1024x128xf32>
    %add3A_289 = arith.addf %add3A_277, %dot_general3A_288 : vector<1024x128xf32>
    %eq3A_290 = arith.constant 2.300000e+01 : bf16
    %eq3A_291 = vector.broadcast %eq3A_290 : bf16 to vector<1024x128xbf16>
    %eq3A_292 = arith.cmpf oeq, %broadcast_in_dim3A_12, %eq3A_291 : vector<1024x128xbf16>
    %select_n3A_293 = arith.select %eq3A_292, %convert_element_type3A_4, %broadcast_in_dim3A_14 : vector<1024x128xi1>, vector<1024x128xbf16>
    %get3A_294 = arith.constant 23 : index
    %get3A_295 = arith.constant 0 : index
    %get3A_296 = arith.constant 0 : index
    %get3A_297 = vector.load %arg5[%get3A_294, %get3A_295, %get3A_296] : memref<64x128x128xbf16, #tpu.memory_space<vmem>>, vector<1x128x128xbf16>
    %get3A_298 = vector.shape_cast %get3A_297 : vector<1x128x128xbf16> to vector<128x128xbf16>
    %dot_general3A_299 = arith.constant dense<0.000000e+00> : vector<1024x128xf32>
    %dot_general3A_300 = tpu.matmul %select_n3A_293, %get3A_298, %dot_general3A_299 {dimension_numbers = #tpu.dot_dimension_numbers<[1], [0], [0], [1], [0, 0, 1, 1], [], []>, transpose_lhs_hint = false} : vector<1024x128xbf16>, vector<128x128xbf16>, vector<1024x128xf32> -> vector<1024x128xf32>
    %add3A_301 = arith.addf %add3A_289, %dot_general3A_300 : vector<1024x128xf32>
    %eq3A_302 = arith.constant 2.400000e+01 : bf16
    %eq3A_303 = vector.broadcast %eq3A_302 : bf16 to vector<1024x128xbf16>
    %eq3A_304 = arith.cmpf oeq, %broadcast_in_dim3A_12, %eq3A_303 : vector<1024x128xbf16>
    %select_n3A_305 = arith.select %eq3A_304, %convert_element_type3A_4, %broadcast_in_dim3A_14 : vector<1024x128xi1>, vector<1024x128xbf16>
    %get3A_306 = arith.constant 24 : index
    %get3A_307 = arith.constant 0 : index
    %get3A_308 = arith.constant 0 : index
    %get3A_309 = vector.load %arg5[%get3A_306, %get3A_307, %get3A_308] : memref<64x128x128xbf16, #tpu.memory_space<vmem>>, vector<1x128x128xbf16>
    %get3A_310 = vector.shape_cast %get3A_309 : vector<1x128x128xbf16> to vector<128x128xbf16>
    %dot_general3A_311 = arith.constant dense<0.000000e+00> : vector<1024x128xf32>
    %dot_general3A_312 = tpu.matmul %select_n3A_305, %get3A_310, %dot_general3A_311 {dimension_numbers = #tpu.dot_dimension_numbers<[1], [0], [0], [1], [0, 0, 1, 1], [], []>, transpose_lhs_hint = false} : vector<1024x128xbf16>, vector<128x128xbf16>, vector<1024x128xf32> -> vector<1024x128xf32>
    %add3A_313 = arith.addf %add3A_301, %dot_general3A_312 : vector<1024x128xf32>
    %eq3A_314 = arith.constant 2.500000e+01 : bf16
    %eq3A_315 = vector.broadcast %eq3A_314 : bf16 to vector<1024x128xbf16>
    %eq3A_316 = arith.cmpf oeq, %broadcast_in_dim3A_12, %eq3A_315 : vector<1024x128xbf16>
    %select_n3A_317 = arith.select %eq3A_316, %convert_element_type3A_4, %broadcast_in_dim3A_14 : vector<1024x128xi1>, vector<1024x128xbf16>
    %get3A_318 = arith.constant 25 : index
    %get3A_319 = arith.constant 0 : index
    %get3A_320 = arith.constant 0 : index
    %get3A_321 = vector.load %arg5[%get3A_318, %get3A_319, %get3A_320] : memref<64x128x128xbf16, #tpu.memory_space<vmem>>, vector<1x128x128xbf16>
    %get3A_322 = vector.shape_cast %get3A_321 : vector<1x128x128xbf16> to vector<128x128xbf16>
    %dot_general3A_323 = arith.constant dense<0.000000e+00> : vector<1024x128xf32>
    %dot_general3A_324 = tpu.matmul %select_n3A_317, %get3A_322, %dot_general3A_323 {dimension_numbers = #tpu.dot_dimension_numbers<[1], [0], [0], [1], [0, 0, 1, 1], [], []>, transpose_lhs_hint = false} : vector<1024x128xbf16>, vector<128x128xbf16>, vector<1024x128xf32> -> vector<1024x128xf32>
    %add3A_325 = arith.addf %add3A_313, %dot_general3A_324 : vector<1024x128xf32>
    %eq3A_326 = arith.constant 2.600000e+01 : bf16
    %eq3A_327 = vector.broadcast %eq3A_326 : bf16 to vector<1024x128xbf16>
    %eq3A_328 = arith.cmpf oeq, %broadcast_in_dim3A_12, %eq3A_327 : vector<1024x128xbf16>
    %select_n3A_329 = arith.select %eq3A_328, %convert_element_type3A_4, %broadcast_in_dim3A_14 : vector<1024x128xi1>, vector<1024x128xbf16>
    %get3A_330 = arith.constant 26 : index
    %get3A_331 = arith.constant 0 : index
    %get3A_332 = arith.constant 0 : index
    %get3A_333 = vector.load %arg5[%get3A_330, %get3A_331, %get3A_332] : memref<64x128x128xbf16, #tpu.memory_space<vmem>>, vector<1x128x128xbf16>
    %get3A_334 = vector.shape_cast %get3A_333 : vector<1x128x128xbf16> to vector<128x128xbf16>
    %dot_general3A_335 = arith.constant dense<0.000000e+00> : vector<1024x128xf32>
    %dot_general3A_336 = tpu.matmul %select_n3A_329, %get3A_334, %dot_general3A_335 {dimension_numbers = #tpu.dot_dimension_numbers<[1], [0], [0], [1], [0, 0, 1, 1], [], []>, transpose_lhs_hint = false} : vector<1024x128xbf16>, vector<128x128xbf16>, vector<1024x128xf32> -> vector<1024x128xf32>
    %add3A_337 = arith.addf %add3A_325, %dot_general3A_336 : vector<1024x128xf32>
    %eq3A_338 = arith.constant 2.700000e+01 : bf16
    %eq3A_339 = vector.broadcast %eq3A_338 : bf16 to vector<1024x128xbf16>
    %eq3A_340 = arith.cmpf oeq, %broadcast_in_dim3A_12, %eq3A_339 : vector<1024x128xbf16>
    %select_n3A_341 = arith.select %eq3A_340, %convert_element_type3A_4, %broadcast_in_dim3A_14 : vector<1024x128xi1>, vector<1024x128xbf16>
    %get3A_342 = arith.constant 27 : index
    %get3A_343 = arith.constant 0 : index
    %get3A_344 = arith.constant 0 : index
    %get3A_345 = vector.load %arg5[%get3A_342, %get3A_343, %get3A_344] : memref<64x128x128xbf16, #tpu.memory_space<vmem>>, vector<1x128x128xbf16>
    %get3A_346 = vector.shape_cast %get3A_345 : vector<1x128x128xbf16> to vector<128x128xbf16>
    %dot_general3A_347 = arith.constant dense<0.000000e+00> : vector<1024x128xf32>
    %dot_general3A_348 = tpu.matmul %select_n3A_341, %get3A_346, %dot_general3A_347 {dimension_numbers = #tpu.dot_dimension_numbers<[1], [0], [0], [1], [0, 0, 1, 1], [], []>, transpose_lhs_hint = false} : vector<1024x128xbf16>, vector<128x128xbf16>, vector<1024x128xf32> -> vector<1024x128xf32>
    %add3A_349 = arith.addf %add3A_337, %dot_general3A_348 : vector<1024x128xf32>
    %eq3A_350 = arith.constant 2.800000e+01 : bf16
    %eq3A_351 = vector.broadcast %eq3A_350 : bf16 to vector<1024x128xbf16>
    %eq3A_352 = arith.cmpf oeq, %broadcast_in_dim3A_12, %eq3A_351 : vector<1024x128xbf16>
    %select_n3A_353 = arith.select %eq3A_352, %convert_element_type3A_4, %broadcast_in_dim3A_14 : vector<1024x128xi1>, vector<1024x128xbf16>
    %get3A_354 = arith.constant 28 : index
    %get3A_355 = arith.constant 0 : index
    %get3A_356 = arith.constant 0 : index
    %get3A_357 = vector.load %arg5[%get3A_354, %get3A_355, %get3A_356] : memref<64x128x128xbf16, #tpu.memory_space<vmem>>, vector<1x128x128xbf16>
    %get3A_358 = vector.shape_cast %get3A_357 : vector<1x128x128xbf16> to vector<128x128xbf16>
    %dot_general3A_359 = arith.constant dense<0.000000e+00> : vector<1024x128xf32>
    %dot_general3A_360 = tpu.matmul %select_n3A_353, %get3A_358, %dot_general3A_359 {dimension_numbers = #tpu.dot_dimension_numbers<[1], [0], [0], [1], [0, 0, 1, 1], [], []>, transpose_lhs_hint = false} : vector<1024x128xbf16>, vector<128x128xbf16>, vector<1024x128xf32> -> vector<1024x128xf32>
    %add3A_361 = arith.addf %add3A_349, %dot_general3A_360 : vector<1024x128xf32>
    %eq3A_362 = arith.constant 2.900000e+01 : bf16
    %eq3A_363 = vector.broadcast %eq3A_362 : bf16 to vector<1024x128xbf16>
    %eq3A_364 = arith.cmpf oeq, %broadcast_in_dim3A_12, %eq3A_363 : vector<1024x128xbf16>
    %select_n3A_365 = arith.select %eq3A_364, %convert_element_type3A_4, %broadcast_in_dim3A_14 : vector<1024x128xi1>, vector<1024x128xbf16>
    %get3A_366 = arith.constant 29 : index
    %get3A_367 = arith.constant 0 : index
    %get3A_368 = arith.constant 0 : index
    %get3A_369 = vector.load %arg5[%get3A_366, %get3A_367, %get3A_368] : memref<64x128x128xbf16, #tpu.memory_space<vmem>>, vector<1x128x128xbf16>
    %get3A_370 = vector.shape_cast %get3A_369 : vector<1x128x128xbf16> to vector<128x128xbf16>
    %dot_general3A_371 = arith.constant dense<0.000000e+00> : vector<1024x128xf32>
    %dot_general3A_372 = tpu.matmul %select_n3A_365, %get3A_370, %dot_general3A_371 {dimension_numbers = #tpu.dot_dimension_numbers<[1], [0], [0], [1], [0, 0, 1, 1], [], []>, transpose_lhs_hint = false} : vector<1024x128xbf16>, vector<128x128xbf16>, vector<1024x128xf32> -> vector<1024x128xf32>
    %add3A_373 = arith.addf %add3A_361, %dot_general3A_372 : vector<1024x128xf32>
    %eq3A_374 = arith.constant 3.000000e+01 : bf16
    %eq3A_375 = vector.broadcast %eq3A_374 : bf16 to vector<1024x128xbf16>
    %eq3A_376 = arith.cmpf oeq, %broadcast_in_dim3A_12, %eq3A_375 : vector<1024x128xbf16>
    %select_n3A_377 = arith.select %eq3A_376, %convert_element_type3A_4, %broadcast_in_dim3A_14 : vector<1024x128xi1>, vector<1024x128xbf16>
    %get3A_378 = arith.constant 30 : index
    %get3A_379 = arith.constant 0 : index
    %get3A_380 = arith.constant 0 : index
    %get3A_381 = vector.load %arg5[%get3A_378, %get3A_379, %get3A_380] : memref<64x128x128xbf16, #tpu.memory_space<vmem>>, vector<1x128x128xbf16>
    %get3A_382 = vector.shape_cast %get3A_381 : vector<1x128x128xbf16> to vector<128x128xbf16>
    %dot_general3A_383 = arith.constant dense<0.000000e+00> : vector<1024x128xf32>
    %dot_general3A_384 = tpu.matmul %select_n3A_377, %get3A_382, %dot_general3A_383 {dimension_numbers = #tpu.dot_dimension_numbers<[1], [0], [0], [1], [0, 0, 1, 1], [], []>, transpose_lhs_hint = false} : vector<1024x128xbf16>, vector<128x128xbf16>, vector<1024x128xf32> -> vector<1024x128xf32>
    %add3A_385 = arith.addf %add3A_373, %dot_general3A_384 : vector<1024x128xf32>
    %eq3A_386 = arith.constant 3.100000e+01 : bf16
    %eq3A_387 = vector.broadcast %eq3A_386 : bf16 to vector<1024x128xbf16>
    %eq3A_388 = arith.cmpf oeq, %broadcast_in_dim3A_12, %eq3A_387 : vector<1024x128xbf16>
    %select_n3A_389 = arith.select %eq3A_388, %convert_element_type3A_4, %broadcast_in_dim3A_14 : vector<1024x128xi1>, vector<1024x128xbf16>
    %get3A_390 = arith.constant 31 : index
    %get3A_391 = arith.constant 0 : index
    %get3A_392 = arith.constant 0 : index
    %get3A_393 = vector.load %arg5[%get3A_390, %get3A_391, %get3A_392] : memref<64x128x128xbf16, #tpu.memory_space<vmem>>, vector<1x128x128xbf16>
    %get3A_394 = vector.shape_cast %get3A_393 : vector<1x128x128xbf16> to vector<128x128xbf16>
    %dot_general3A_395 = arith.constant dense<0.000000e+00> : vector<1024x128xf32>
    %dot_general3A_396 = tpu.matmul %select_n3A_389, %get3A_394, %dot_general3A_395 {dimension_numbers = #tpu.dot_dimension_numbers<[1], [0], [0], [1], [0, 0, 1, 1], [], []>, transpose_lhs_hint = false} : vector<1024x128xbf16>, vector<128x128xbf16>, vector<1024x128xf32> -> vector<1024x128xf32>
    %add3A_397 = arith.addf %add3A_385, %dot_general3A_396 : vector<1024x128xf32>
    %eq3A_398 = arith.constant 3.200000e+01 : bf16
    %eq3A_399 = vector.broadcast %eq3A_398 : bf16 to vector<1024x128xbf16>
    %eq3A_400 = arith.cmpf oeq, %broadcast_in_dim3A_12, %eq3A_399 : vector<1024x128xbf16>
    %select_n3A_401 = arith.select %eq3A_400, %convert_element_type3A_4, %broadcast_in_dim3A_14 : vector<1024x128xi1>, vector<1024x128xbf16>
    %get3A_402 = arith.constant 32 : index
    %get3A_403 = arith.constant 0 : index
    %get3A_404 = arith.constant 0 : index
    %get3A_405 = vector.load %arg5[%get3A_402, %get3A_403, %get3A_404] : memref<64x128x128xbf16, #tpu.memory_space<vmem>>, vector<1x128x128xbf16>
    %get3A_406 = vector.shape_cast %get3A_405 : vector<1x128x128xbf16> to vector<128x128xbf16>
    %dot_general3A_407 = arith.constant dense<0.000000e+00> : vector<1024x128xf32>
    %dot_general3A_408 = tpu.matmul %select_n3A_401, %get3A_406, %dot_general3A_407 {dimension_numbers = #tpu.dot_dimension_numbers<[1], [0], [0], [1], [0, 0, 1, 1], [], []>, transpose_lhs_hint = false} : vector<1024x128xbf16>, vector<128x128xbf16>, vector<1024x128xf32> -> vector<1024x128xf32>
    %add3A_409 = arith.addf %add3A_397, %dot_general3A_408 : vector<1024x128xf32>
    %eq3A_410 = arith.constant 3.300000e+01 : bf16
    %eq3A_411 = vector.broadcast %eq3A_410 : bf16 to vector<1024x128xbf16>
    %eq3A_412 = arith.cmpf oeq, %broadcast_in_dim3A_12, %eq3A_411 : vector<1024x128xbf16>
    %select_n3A_413 = arith.select %eq3A_412, %convert_element_type3A_4, %broadcast_in_dim3A_14 : vector<1024x128xi1>, vector<1024x128xbf16>
    %get3A_414 = arith.constant 33 : index
    %get3A_415 = arith.constant 0 : index
    %get3A_416 = arith.constant 0 : index
    %get3A_417 = vector.load %arg5[%get3A_414, %get3A_415, %get3A_416] : memref<64x128x128xbf16, #tpu.memory_space<vmem>>, vector<1x128x128xbf16>
    %get3A_418 = vector.shape_cast %get3A_417 : vector<1x128x128xbf16> to vector<128x128xbf16>
    %dot_general3A_419 = arith.constant dense<0.000000e+00> : vector<1024x128xf32>
    %dot_general3A_420 = tpu.matmul %select_n3A_413, %get3A_418, %dot_general3A_419 {dimension_numbers = #tpu.dot_dimension_numbers<[1], [0], [0], [1], [0, 0, 1, 1], [], []>, transpose_lhs_hint = false} : vector<1024x128xbf16>, vector<128x128xbf16>, vector<1024x128xf32> -> vector<1024x128xf32>
    %add3A_421 = arith.addf %add3A_409, %dot_general3A_420 : vector<1024x128xf32>
    %eq3A_422 = arith.constant 3.400000e+01 : bf16
    %eq3A_423 = vector.broadcast %eq3A_422 : bf16 to vector<1024x128xbf16>
    %eq3A_424 = arith.cmpf oeq, %broadcast_in_dim3A_12, %eq3A_423 : vector<1024x128xbf16>
    %select_n3A_425 = arith.select %eq3A_424, %convert_element_type3A_4, %broadcast_in_dim3A_14 : vector<1024x128xi1>, vector<1024x128xbf16>
    %get3A_426 = arith.constant 34 : index
    %get3A_427 = arith.constant 0 : index
    %get3A_428 = arith.constant 0 : index
    %get3A_429 = vector.load %arg5[%get3A_426, %get3A_427, %get3A_428] : memref<64x128x128xbf16, #tpu.memory_space<vmem>>, vector<1x128x128xbf16>
    %get3A_430 = vector.shape_cast %get3A_429 : vector<1x128x128xbf16> to vector<128x128xbf16>
    %dot_general3A_431 = arith.constant dense<0.000000e+00> : vector<1024x128xf32>
    %dot_general3A_432 = tpu.matmul %select_n3A_425, %get3A_430, %dot_general3A_431 {dimension_numbers = #tpu.dot_dimension_numbers<[1], [0], [0], [1], [0, 0, 1, 1], [], []>, transpose_lhs_hint = false} : vector<1024x128xbf16>, vector<128x128xbf16>, vector<1024x128xf32> -> vector<1024x128xf32>
    %add3A_433 = arith.addf %add3A_421, %dot_general3A_432 : vector<1024x128xf32>
    %eq3A_434 = arith.constant 3.500000e+01 : bf16
    %eq3A_435 = vector.broadcast %eq3A_434 : bf16 to vector<1024x128xbf16>
    %eq3A_436 = arith.cmpf oeq, %broadcast_in_dim3A_12, %eq3A_435 : vector<1024x128xbf16>
    %select_n3A_437 = arith.select %eq3A_436, %convert_element_type3A_4, %broadcast_in_dim3A_14 : vector<1024x128xi1>, vector<1024x128xbf16>
    %get3A_438 = arith.constant 35 : index
    %get3A_439 = arith.constant 0 : index
    %get3A_440 = arith.constant 0 : index
    %get3A_441 = vector.load %arg5[%get3A_438, %get3A_439, %get3A_440] : memref<64x128x128xbf16, #tpu.memory_space<vmem>>, vector<1x128x128xbf16>
    %get3A_442 = vector.shape_cast %get3A_441 : vector<1x128x128xbf16> to vector<128x128xbf16>
    %dot_general3A_443 = arith.constant dense<0.000000e+00> : vector<1024x128xf32>
    %dot_general3A_444 = tpu.matmul %select_n3A_437, %get3A_442, %dot_general3A_443 {dimension_numbers = #tpu.dot_dimension_numbers<[1], [0], [0], [1], [0, 0, 1, 1], [], []>, transpose_lhs_hint = false} : vector<1024x128xbf16>, vector<128x128xbf16>, vector<1024x128xf32> -> vector<1024x128xf32>
    %add3A_445 = arith.addf %add3A_433, %dot_general3A_444 : vector<1024x128xf32>
    %eq3A_446 = arith.constant 3.600000e+01 : bf16
    %eq3A_447 = vector.broadcast %eq3A_446 : bf16 to vector<1024x128xbf16>
    %eq3A_448 = arith.cmpf oeq, %broadcast_in_dim3A_12, %eq3A_447 : vector<1024x128xbf16>
    %select_n3A_449 = arith.select %eq3A_448, %convert_element_type3A_4, %broadcast_in_dim3A_14 : vector<1024x128xi1>, vector<1024x128xbf16>
    %get3A_450 = arith.constant 36 : index
    %get3A_451 = arith.constant 0 : index
    %get3A_452 = arith.constant 0 : index
    %get3A_453 = vector.load %arg5[%get3A_450, %get3A_451, %get3A_452] : memref<64x128x128xbf16, #tpu.memory_space<vmem>>, vector<1x128x128xbf16>
    %get3A_454 = vector.shape_cast %get3A_453 : vector<1x128x128xbf16> to vector<128x128xbf16>
    %dot_general3A_455 = arith.constant dense<0.000000e+00> : vector<1024x128xf32>
    %dot_general3A_456 = tpu.matmul %select_n3A_449, %get3A_454, %dot_general3A_455 {dimension_numbers = #tpu.dot_dimension_numbers<[1], [0], [0], [1], [0, 0, 1, 1], [], []>, transpose_lhs_hint = false} : vector<1024x128xbf16>, vector<128x128xbf16>, vector<1024x128xf32> -> vector<1024x128xf32>
    %add3A_457 = arith.addf %add3A_445, %dot_general3A_456 : vector<1024x128xf32>
    %eq3A_458 = arith.constant 3.700000e+01 : bf16
    %eq3A_459 = vector.broadcast %eq3A_458 : bf16 to vector<1024x128xbf16>
    %eq3A_460 = arith.cmpf oeq, %broadcast_in_dim3A_12, %eq3A_459 : vector<1024x128xbf16>
    %select_n3A_461 = arith.select %eq3A_460, %convert_element_type3A_4, %broadcast_in_dim3A_14 : vector<1024x128xi1>, vector<1024x128xbf16>
    %get3A_462 = arith.constant 37 : index
    %get3A_463 = arith.constant 0 : index
    %get3A_464 = arith.constant 0 : index
    %get3A_465 = vector.load %arg5[%get3A_462, %get3A_463, %get3A_464] : memref<64x128x128xbf16, #tpu.memory_space<vmem>>, vector<1x128x128xbf16>
    %get3A_466 = vector.shape_cast %get3A_465 : vector<1x128x128xbf16> to vector<128x128xbf16>
    %dot_general3A_467 = arith.constant dense<0.000000e+00> : vector<1024x128xf32>
    %dot_general3A_468 = tpu.matmul %select_n3A_461, %get3A_466, %dot_general3A_467 {dimension_numbers = #tpu.dot_dimension_numbers<[1], [0], [0], [1], [0, 0, 1, 1], [], []>, transpose_lhs_hint = false} : vector<1024x128xbf16>, vector<128x128xbf16>, vector<1024x128xf32> -> vector<1024x128xf32>
    %add3A_469 = arith.addf %add3A_457, %dot_general3A_468 : vector<1024x128xf32>
    %eq3A_470 = arith.constant 3.800000e+01 : bf16
    %eq3A_471 = vector.broadcast %eq3A_470 : bf16 to vector<1024x128xbf16>
    %eq3A_472 = arith.cmpf oeq, %broadcast_in_dim3A_12, %eq3A_471 : vector<1024x128xbf16>
    %select_n3A_473 = arith.select %eq3A_472, %convert_element_type3A_4, %broadcast_in_dim3A_14 : vector<1024x128xi1>, vector<1024x128xbf16>
    %get3A_474 = arith.constant 38 : index
    %get3A_475 = arith.constant 0 : index
    %get3A_476 = arith.constant 0 : index
    %get3A_477 = vector.load %arg5[%get3A_474, %get3A_475, %get3A_476] : memref<64x128x128xbf16, #tpu.memory_space<vmem>>, vector<1x128x128xbf16>
    %get3A_478 = vector.shape_cast %get3A_477 : vector<1x128x128xbf16> to vector<128x128xbf16>
    %dot_general3A_479 = arith.constant dense<0.000000e+00> : vector<1024x128xf32>
    %dot_general3A_480 = tpu.matmul %select_n3A_473, %get3A_478, %dot_general3A_479 {dimension_numbers = #tpu.dot_dimension_numbers<[1], [0], [0], [1], [0, 0, 1, 1], [], []>, transpose_lhs_hint = false} : vector<1024x128xbf16>, vector<128x128xbf16>, vector<1024x128xf32> -> vector<1024x128xf32>
    %add3A_481 = arith.addf %add3A_469, %dot_general3A_480 : vector<1024x128xf32>
    %eq3A_482 = arith.constant 3.900000e+01 : bf16
    %eq3A_483 = vector.broadcast %eq3A_482 : bf16 to vector<1024x128xbf16>
    %eq3A_484 = arith.cmpf oeq, %broadcast_in_dim3A_12, %eq3A_483 : vector<1024x128xbf16>
    %select_n3A_485 = arith.select %eq3A_484, %convert_element_type3A_4, %broadcast_in_dim3A_14 : vector<1024x128xi1>, vector<1024x128xbf16>
    %get3A_486 = arith.constant 39 : index
    %get3A_487 = arith.constant 0 : index
    %get3A_488 = arith.constant 0 : index
    %get3A_489 = vector.load %arg5[%get3A_486, %get3A_487, %get3A_488] : memref<64x128x128xbf16, #tpu.memory_space<vmem>>, vector<1x128x128xbf16>
    %get3A_490 = vector.shape_cast %get3A_489 : vector<1x128x128xbf16> to vector<128x128xbf16>
    %dot_general3A_491 = arith.constant dense<0.000000e+00> : vector<1024x128xf32>
    %dot_general3A_492 = tpu.matmul %select_n3A_485, %get3A_490, %dot_general3A_491 {dimension_numbers = #tpu.dot_dimension_numbers<[1], [0], [0], [1], [0, 0, 1, 1], [], []>, transpose_lhs_hint = false} : vector<1024x128xbf16>, vector<128x128xbf16>, vector<1024x128xf32> -> vector<1024x128xf32>
    %add3A_493 = arith.addf %add3A_481, %dot_general3A_492 : vector<1024x128xf32>
    %eq3A_494 = arith.constant 4.000000e+01 : bf16
    %eq3A_495 = vector.broadcast %eq3A_494 : bf16 to vector<1024x128xbf16>
    %eq3A_496 = arith.cmpf oeq, %broadcast_in_dim3A_12, %eq3A_495 : vector<1024x128xbf16>
    %select_n3A_497 = arith.select %eq3A_496, %convert_element_type3A_4, %broadcast_in_dim3A_14 : vector<1024x128xi1>, vector<1024x128xbf16>
    %get3A_498 = arith.constant 40 : index
    %get3A_499 = arith.constant 0 : index
    %get3A_500 = arith.constant 0 : index
    %get3A_501 = vector.load %arg5[%get3A_498, %get3A_499, %get3A_500] : memref<64x128x128xbf16, #tpu.memory_space<vmem>>, vector<1x128x128xbf16>
    %get3A_502 = vector.shape_cast %get3A_501 : vector<1x128x128xbf16> to vector<128x128xbf16>
    %dot_general3A_503 = arith.constant dense<0.000000e+00> : vector<1024x128xf32>
    %dot_general3A_504 = tpu.matmul %select_n3A_497, %get3A_502, %dot_general3A_503 {dimension_numbers = #tpu.dot_dimension_numbers<[1], [0], [0], [1], [0, 0, 1, 1], [], []>, transpose_lhs_hint = false} : vector<1024x128xbf16>, vector<128x128xbf16>, vector<1024x128xf32> -> vector<1024x128xf32>
    %add3A_505 = arith.addf %add3A_493, %dot_general3A_504 : vector<1024x128xf32>
    %eq3A_506 = arith.constant 4.100000e+01 : bf16
    %eq3A_507 = vector.broadcast %eq3A_506 : bf16 to vector<1024x128xbf16>
    %eq3A_508 = arith.cmpf oeq, %broadcast_in_dim3A_12, %eq3A_507 : vector<1024x128xbf16>
    %select_n3A_509 = arith.select %eq3A_508, %convert_element_type3A_4, %broadcast_in_dim3A_14 : vector<1024x128xi1>, vector<1024x128xbf16>
    %get3A_510 = arith.constant 41 : index
    %get3A_511 = arith.constant 0 : index
    %get3A_512 = arith.constant 0 : index
    %get3A_513 = vector.load %arg5[%get3A_510, %get3A_511, %get3A_512] : memref<64x128x128xbf16, #tpu.memory_space<vmem>>, vector<1x128x128xbf16>
    %get3A_514 = vector.shape_cast %get3A_513 : vector<1x128x128xbf16> to vector<128x128xbf16>
    %dot_general3A_515 = arith.constant dense<0.000000e+00> : vector<1024x128xf32>
    %dot_general3A_516 = tpu.matmul %select_n3A_509, %get3A_514, %dot_general3A_515 {dimension_numbers = #tpu.dot_dimension_numbers<[1], [0], [0], [1], [0, 0, 1, 1], [], []>, transpose_lhs_hint = false} : vector<1024x128xbf16>, vector<128x128xbf16>, vector<1024x128xf32> -> vector<1024x128xf32>
    %add3A_517 = arith.addf %add3A_505, %dot_general3A_516 : vector<1024x128xf32>
    %eq3A_518 = arith.constant 4.200000e+01 : bf16
    %eq3A_519 = vector.broadcast %eq3A_518 : bf16 to vector<1024x128xbf16>
    %eq3A_520 = arith.cmpf oeq, %broadcast_in_dim3A_12, %eq3A_519 : vector<1024x128xbf16>
    %select_n3A_521 = arith.select %eq3A_520, %convert_element_type3A_4, %broadcast_in_dim3A_14 : vector<1024x128xi1>, vector<1024x128xbf16>
    %get3A_522 = arith.constant 42 : index
    %get3A_523 = arith.constant 0 : index
    %get3A_524 = arith.constant 0 : index
    %get3A_525 = vector.load %arg5[%get3A_522, %get3A_523, %get3A_524] : memref<64x128x128xbf16, #tpu.memory_space<vmem>>, vector<1x128x128xbf16>
    %get3A_526 = vector.shape_cast %get3A_525 : vector<1x128x128xbf16> to vector<128x128xbf16>
    %dot_general3A_527 = arith.constant dense<0.000000e+00> : vector<1024x128xf32>
    %dot_general3A_528 = tpu.matmul %select_n3A_521, %get3A_526, %dot_general3A_527 {dimension_numbers = #tpu.dot_dimension_numbers<[1], [0], [0], [1], [0, 0, 1, 1], [], []>, transpose_lhs_hint = false} : vector<1024x128xbf16>, vector<128x128xbf16>, vector<1024x128xf32> -> vector<1024x128xf32>
    %add3A_529 = arith.addf %add3A_517, %dot_general3A_528 : vector<1024x128xf32>
    %eq3A_530 = arith.constant 4.300000e+01 : bf16
    %eq3A_531 = vector.broadcast %eq3A_530 : bf16 to vector<1024x128xbf16>
    %eq3A_532 = arith.cmpf oeq, %broadcast_in_dim3A_12, %eq3A_531 : vector<1024x128xbf16>
    %select_n3A_533 = arith.select %eq3A_532, %convert_element_type3A_4, %broadcast_in_dim3A_14 : vector<1024x128xi1>, vector<1024x128xbf16>
    %get3A_534 = arith.constant 43 : index
    %get3A_535 = arith.constant 0 : index
    %get3A_536 = arith.constant 0 : index
    %get3A_537 = vector.load %arg5[%get3A_534, %get3A_535, %get3A_536] : memref<64x128x128xbf16, #tpu.memory_space<vmem>>, vector<1x128x128xbf16>
    %get3A_538 = vector.shape_cast %get3A_537 : vector<1x128x128xbf16> to vector<128x128xbf16>
    %dot_general3A_539 = arith.constant dense<0.000000e+00> : vector<1024x128xf32>
    %dot_general3A_540 = tpu.matmul %select_n3A_533, %get3A_538, %dot_general3A_539 {dimension_numbers = #tpu.dot_dimension_numbers<[1], [0], [0], [1], [0, 0, 1, 1], [], []>, transpose_lhs_hint = false} : vector<1024x128xbf16>, vector<128x128xbf16>, vector<1024x128xf32> -> vector<1024x128xf32>
    %add3A_541 = arith.addf %add3A_529, %dot_general3A_540 : vector<1024x128xf32>
    %eq3A_542 = arith.constant 4.400000e+01 : bf16
    %eq3A_543 = vector.broadcast %eq3A_542 : bf16 to vector<1024x128xbf16>
    %eq3A_544 = arith.cmpf oeq, %broadcast_in_dim3A_12, %eq3A_543 : vector<1024x128xbf16>
    %select_n3A_545 = arith.select %eq3A_544, %convert_element_type3A_4, %broadcast_in_dim3A_14 : vector<1024x128xi1>, vector<1024x128xbf16>
    %get3A_546 = arith.constant 44 : index
    %get3A_547 = arith.constant 0 : index
    %get3A_548 = arith.constant 0 : index
    %get3A_549 = vector.load %arg5[%get3A_546, %get3A_547, %get3A_548] : memref<64x128x128xbf16, #tpu.memory_space<vmem>>, vector<1x128x128xbf16>
    %get3A_550 = vector.shape_cast %get3A_549 : vector<1x128x128xbf16> to vector<128x128xbf16>
    %dot_general3A_551 = arith.constant dense<0.000000e+00> : vector<1024x128xf32>
    %dot_general3A_552 = tpu.matmul %select_n3A_545, %get3A_550, %dot_general3A_551 {dimension_numbers = #tpu.dot_dimension_numbers<[1], [0], [0], [1], [0, 0, 1, 1], [], []>, transpose_lhs_hint = false} : vector<1024x128xbf16>, vector<128x128xbf16>, vector<1024x128xf32> -> vector<1024x128xf32>
    %add3A_553 = arith.addf %add3A_541, %dot_general3A_552 : vector<1024x128xf32>
    %eq3A_554 = arith.constant 4.500000e+01 : bf16
    %eq3A_555 = vector.broadcast %eq3A_554 : bf16 to vector<1024x128xbf16>
    %eq3A_556 = arith.cmpf oeq, %broadcast_in_dim3A_12, %eq3A_555 : vector<1024x128xbf16>
    %select_n3A_557 = arith.select %eq3A_556, %convert_element_type3A_4, %broadcast_in_dim3A_14 : vector<1024x128xi1>, vector<1024x128xbf16>
    %get3A_558 = arith.constant 45 : index
    %get3A_559 = arith.constant 0 : index
    %get3A_560 = arith.constant 0 : index
    %get3A_561 = vector.load %arg5[%get3A_558, %get3A_559, %get3A_560] : memref<64x128x128xbf16, #tpu.memory_space<vmem>>, vector<1x128x128xbf16>
    %get3A_562 = vector.shape_cast %get3A_561 : vector<1x128x128xbf16> to vector<128x128xbf16>
    %dot_general3A_563 = arith.constant dense<0.000000e+00> : vector<1024x128xf32>
    %dot_general3A_564 = tpu.matmul %select_n3A_557, %get3A_562, %dot_general3A_563 {dimension_numbers = #tpu.dot_dimension_numbers<[1], [0], [0], [1], [0, 0, 1, 1], [], []>, transpose_lhs_hint = false} : vector<1024x128xbf16>, vector<128x128xbf16>, vector<1024x128xf32> -> vector<1024x128xf32>
    %add3A_565 = arith.addf %add3A_553, %dot_general3A_564 : vector<1024x128xf32>
    %eq3A_566 = arith.constant 4.600000e+01 : bf16
    %eq3A_567 = vector.broadcast %eq3A_566 : bf16 to vector<1024x128xbf16>
    %eq3A_568 = arith.cmpf oeq, %broadcast_in_dim3A_12, %eq3A_567 : vector<1024x128xbf16>
    %select_n3A_569 = arith.select %eq3A_568, %convert_element_type3A_4, %broadcast_in_dim3A_14 : vector<1024x128xi1>, vector<1024x128xbf16>
    %get3A_570 = arith.constant 46 : index
    %get3A_571 = arith.constant 0 : index
    %get3A_572 = arith.constant 0 : index
    %get3A_573 = vector.load %arg5[%get3A_570, %get3A_571, %get3A_572] : memref<64x128x128xbf16, #tpu.memory_space<vmem>>, vector<1x128x128xbf16>
    %get3A_574 = vector.shape_cast %get3A_573 : vector<1x128x128xbf16> to vector<128x128xbf16>
    %dot_general3A_575 = arith.constant dense<0.000000e+00> : vector<1024x128xf32>
    %dot_general3A_576 = tpu.matmul %select_n3A_569, %get3A_574, %dot_general3A_575 {dimension_numbers = #tpu.dot_dimension_numbers<[1], [0], [0], [1], [0, 0, 1, 1], [], []>, transpose_lhs_hint = false} : vector<1024x128xbf16>, vector<128x128xbf16>, vector<1024x128xf32> -> vector<1024x128xf32>
    %add3A_577 = arith.addf %add3A_565, %dot_general3A_576 : vector<1024x128xf32>
    %eq3A_578 = arith.constant 4.700000e+01 : bf16
    %eq3A_579 = vector.broadcast %eq3A_578 : bf16 to vector<1024x128xbf16>
    %eq3A_580 = arith.cmpf oeq, %broadcast_in_dim3A_12, %eq3A_579 : vector<1024x128xbf16>
    %select_n3A_581 = arith.select %eq3A_580, %convert_element_type3A_4, %broadcast_in_dim3A_14 : vector<1024x128xi1>, vector<1024x128xbf16>
    %get3A_582 = arith.constant 47 : index
    %get3A_583 = arith.constant 0 : index
    %get3A_584 = arith.constant 0 : index
    %get3A_585 = vector.load %arg5[%get3A_582, %get3A_583, %get3A_584] : memref<64x128x128xbf16, #tpu.memory_space<vmem>>, vector<1x128x128xbf16>
    %get3A_586 = vector.shape_cast %get3A_585 : vector<1x128x128xbf16> to vector<128x128xbf16>
    %dot_general3A_587 = arith.constant dense<0.000000e+00> : vector<1024x128xf32>
    %dot_general3A_588 = tpu.matmul %select_n3A_581, %get3A_586, %dot_general3A_587 {dimension_numbers = #tpu.dot_dimension_numbers<[1], [0], [0], [1], [0, 0, 1, 1], [], []>, transpose_lhs_hint = false} : vector<1024x128xbf16>, vector<128x128xbf16>, vector<1024x128xf32> -> vector<1024x128xf32>
    %add3A_589 = arith.addf %add3A_577, %dot_general3A_588 : vector<1024x128xf32>
    %eq3A_590 = arith.constant 4.800000e+01 : bf16
    %eq3A_591 = vector.broadcast %eq3A_590 : bf16 to vector<1024x128xbf16>
    %eq3A_592 = arith.cmpf oeq, %broadcast_in_dim3A_12, %eq3A_591 : vector<1024x128xbf16>
    %select_n3A_593 = arith.select %eq3A_592, %convert_element_type3A_4, %broadcast_in_dim3A_14 : vector<1024x128xi1>, vector<1024x128xbf16>
    %get3A_594 = arith.constant 48 : index
    %get3A_595 = arith.constant 0 : index
    %get3A_596 = arith.constant 0 : index
    %get3A_597 = vector.load %arg5[%get3A_594, %get3A_595, %get3A_596] : memref<64x128x128xbf16, #tpu.memory_space<vmem>>, vector<1x128x128xbf16>
    %get3A_598 = vector.shape_cast %get3A_597 : vector<1x128x128xbf16> to vector<128x128xbf16>
    %dot_general3A_599 = arith.constant dense<0.000000e+00> : vector<1024x128xf32>
    %dot_general3A_600 = tpu.matmul %select_n3A_593, %get3A_598, %dot_general3A_599 {dimension_numbers = #tpu.dot_dimension_numbers<[1], [0], [0], [1], [0, 0, 1, 1], [], []>, transpose_lhs_hint = false} : vector<1024x128xbf16>, vector<128x128xbf16>, vector<1024x128xf32> -> vector<1024x128xf32>
    %add3A_601 = arith.addf %add3A_589, %dot_general3A_600 : vector<1024x128xf32>
    %eq3A_602 = arith.constant 4.900000e+01 : bf16
    %eq3A_603 = vector.broadcast %eq3A_602 : bf16 to vector<1024x128xbf16>
    %eq3A_604 = arith.cmpf oeq, %broadcast_in_dim3A_12, %eq3A_603 : vector<1024x128xbf16>
    %select_n3A_605 = arith.select %eq3A_604, %convert_element_type3A_4, %broadcast_in_dim3A_14 : vector<1024x128xi1>, vector<1024x128xbf16>
    %get3A_606 = arith.constant 49 : index
    %get3A_607 = arith.constant 0 : index
    %get3A_608 = arith.constant 0 : index
    %get3A_609 = vector.load %arg5[%get3A_606, %get3A_607, %get3A_608] : memref<64x128x128xbf16, #tpu.memory_space<vmem>>, vector<1x128x128xbf16>
    %get3A_610 = vector.shape_cast %get3A_609 : vector<1x128x128xbf16> to vector<128x128xbf16>
    %dot_general3A_611 = arith.constant dense<0.000000e+00> : vector<1024x128xf32>
    %dot_general3A_612 = tpu.matmul %select_n3A_605, %get3A_610, %dot_general3A_611 {dimension_numbers = #tpu.dot_dimension_numbers<[1], [0], [0], [1], [0, 0, 1, 1], [], []>, transpose_lhs_hint = false} : vector<1024x128xbf16>, vector<128x128xbf16>, vector<1024x128xf32> -> vector<1024x128xf32>
    %add3A_613 = arith.addf %add3A_601, %dot_general3A_612 : vector<1024x128xf32>
    %eq3A_614 = arith.constant 5.000000e+01 : bf16
    %eq3A_615 = vector.broadcast %eq3A_614 : bf16 to vector<1024x128xbf16>
    %eq3A_616 = arith.cmpf oeq, %broadcast_in_dim3A_12, %eq3A_615 : vector<1024x128xbf16>
    %select_n3A_617 = arith.select %eq3A_616, %convert_element_type3A_4, %broadcast_in_dim3A_14 : vector<1024x128xi1>, vector<1024x128xbf16>
    %get3A_618 = arith.constant 50 : index
    %get3A_619 = arith.constant 0 : index
    %get3A_620 = arith.constant 0 : index
    %get3A_621 = vector.load %arg5[%get3A_618, %get3A_619, %get3A_620] : memref<64x128x128xbf16, #tpu.memory_space<vmem>>, vector<1x128x128xbf16>
    %get3A_622 = vector.shape_cast %get3A_621 : vector<1x128x128xbf16> to vector<128x128xbf16>
    %dot_general3A_623 = arith.constant dense<0.000000e+00> : vector<1024x128xf32>
    %dot_general3A_624 = tpu.matmul %select_n3A_617, %get3A_622, %dot_general3A_623 {dimension_numbers = #tpu.dot_dimension_numbers<[1], [0], [0], [1], [0, 0, 1, 1], [], []>, transpose_lhs_hint = false} : vector<1024x128xbf16>, vector<128x128xbf16>, vector<1024x128xf32> -> vector<1024x128xf32>
    %add3A_625 = arith.addf %add3A_613, %dot_general3A_624 : vector<1024x128xf32>
    %eq3A_626 = arith.constant 5.100000e+01 : bf16
    %eq3A_627 = vector.broadcast %eq3A_626 : bf16 to vector<1024x128xbf16>
    %eq3A_628 = arith.cmpf oeq, %broadcast_in_dim3A_12, %eq3A_627 : vector<1024x128xbf16>
    %select_n3A_629 = arith.select %eq3A_628, %convert_element_type3A_4, %broadcast_in_dim3A_14 : vector<1024x128xi1>, vector<1024x128xbf16>
    %get3A_630 = arith.constant 51 : index
    %get3A_631 = arith.constant 0 : index
    %get3A_632 = arith.constant 0 : index
    %get3A_633 = vector.load %arg5[%get3A_630, %get3A_631, %get3A_632] : memref<64x128x128xbf16, #tpu.memory_space<vmem>>, vector<1x128x128xbf16>
    %get3A_634 = vector.shape_cast %get3A_633 : vector<1x128x128xbf16> to vector<128x128xbf16>
    %dot_general3A_635 = arith.constant dense<0.000000e+00> : vector<1024x128xf32>
    %dot_general3A_636 = tpu.matmul %select_n3A_629, %get3A_634, %dot_general3A_635 {dimension_numbers = #tpu.dot_dimension_numbers<[1], [0], [0], [1], [0, 0, 1, 1], [], []>, transpose_lhs_hint = false} : vector<1024x128xbf16>, vector<128x128xbf16>, vector<1024x128xf32> -> vector<1024x128xf32>
    %add3A_637 = arith.addf %add3A_625, %dot_general3A_636 : vector<1024x128xf32>
    %eq3A_638 = arith.constant 5.200000e+01 : bf16
    %eq3A_639 = vector.broadcast %eq3A_638 : bf16 to vector<1024x128xbf16>
    %eq3A_640 = arith.cmpf oeq, %broadcast_in_dim3A_12, %eq3A_639 : vector<1024x128xbf16>
    %select_n3A_641 = arith.select %eq3A_640, %convert_element_type3A_4, %broadcast_in_dim3A_14 : vector<1024x128xi1>, vector<1024x128xbf16>
    %get3A_642 = arith.constant 52 : index
    %get3A_643 = arith.constant 0 : index
    %get3A_644 = arith.constant 0 : index
    %get3A_645 = vector.load %arg5[%get3A_642, %get3A_643, %get3A_644] : memref<64x128x128xbf16, #tpu.memory_space<vmem>>, vector<1x128x128xbf16>
    %get3A_646 = vector.shape_cast %get3A_645 : vector<1x128x128xbf16> to vector<128x128xbf16>
    %dot_general3A_647 = arith.constant dense<0.000000e+00> : vector<1024x128xf32>
    %dot_general3A_648 = tpu.matmul %select_n3A_641, %get3A_646, %dot_general3A_647 {dimension_numbers = #tpu.dot_dimension_numbers<[1], [0], [0], [1], [0, 0, 1, 1], [], []>, transpose_lhs_hint = false} : vector<1024x128xbf16>, vector<128x128xbf16>, vector<1024x128xf32> -> vector<1024x128xf32>
    %add3A_649 = arith.addf %add3A_637, %dot_general3A_648 : vector<1024x128xf32>
    %eq3A_650 = arith.constant 5.300000e+01 : bf16
    %eq3A_651 = vector.broadcast %eq3A_650 : bf16 to vector<1024x128xbf16>
    %eq3A_652 = arith.cmpf oeq, %broadcast_in_dim3A_12, %eq3A_651 : vector<1024x128xbf16>
    %select_n3A_653 = arith.select %eq3A_652, %convert_element_type3A_4, %broadcast_in_dim3A_14 : vector<1024x128xi1>, vector<1024x128xbf16>
    %get3A_654 = arith.constant 53 : index
    %get3A_655 = arith.constant 0 : index
    %get3A_656 = arith.constant 0 : index
    %get3A_657 = vector.load %arg5[%get3A_654, %get3A_655, %get3A_656] : memref<64x128x128xbf16, #tpu.memory_space<vmem>>, vector<1x128x128xbf16>
    %get3A_658 = vector.shape_cast %get3A_657 : vector<1x128x128xbf16> to vector<128x128xbf16>
    %dot_general3A_659 = arith.constant dense<0.000000e+00> : vector<1024x128xf32>
    %dot_general3A_660 = tpu.matmul %select_n3A_653, %get3A_658, %dot_general3A_659 {dimension_numbers = #tpu.dot_dimension_numbers<[1], [0], [0], [1], [0, 0, 1, 1], [], []>, transpose_lhs_hint = false} : vector<1024x128xbf16>, vector<128x128xbf16>, vector<1024x128xf32> -> vector<1024x128xf32>
    %add3A_661 = arith.addf %add3A_649, %dot_general3A_660 : vector<1024x128xf32>
    %eq3A_662 = arith.constant 5.400000e+01 : bf16
    %eq3A_663 = vector.broadcast %eq3A_662 : bf16 to vector<1024x128xbf16>
    %eq3A_664 = arith.cmpf oeq, %broadcast_in_dim3A_12, %eq3A_663 : vector<1024x128xbf16>
    %select_n3A_665 = arith.select %eq3A_664, %convert_element_type3A_4, %broadcast_in_dim3A_14 : vector<1024x128xi1>, vector<1024x128xbf16>
    %get3A_666 = arith.constant 54 : index
    %get3A_667 = arith.constant 0 : index
    %get3A_668 = arith.constant 0 : index
    %get3A_669 = vector.load %arg5[%get3A_666, %get3A_667, %get3A_668] : memref<64x128x128xbf16, #tpu.memory_space<vmem>>, vector<1x128x128xbf16>
    %get3A_670 = vector.shape_cast %get3A_669 : vector<1x128x128xbf16> to vector<128x128xbf16>
    %dot_general3A_671 = arith.constant dense<0.000000e+00> : vector<1024x128xf32>
    %dot_general3A_672 = tpu.matmul %select_n3A_665, %get3A_670, %dot_general3A_671 {dimension_numbers = #tpu.dot_dimension_numbers<[1], [0], [0], [1], [0, 0, 1, 1], [], []>, transpose_lhs_hint = false} : vector<1024x128xbf16>, vector<128x128xbf16>, vector<1024x128xf32> -> vector<1024x128xf32>
    %add3A_673 = arith.addf %add3A_661, %dot_general3A_672 : vector<1024x128xf32>
    %eq3A_674 = arith.constant 5.500000e+01 : bf16
    %eq3A_675 = vector.broadcast %eq3A_674 : bf16 to vector<1024x128xbf16>
    %eq3A_676 = arith.cmpf oeq, %broadcast_in_dim3A_12, %eq3A_675 : vector<1024x128xbf16>
    %select_n3A_677 = arith.select %eq3A_676, %convert_element_type3A_4, %broadcast_in_dim3A_14 : vector<1024x128xi1>, vector<1024x128xbf16>
    %get3A_678 = arith.constant 55 : index
    %get3A_679 = arith.constant 0 : index
    %get3A_680 = arith.constant 0 : index
    %get3A_681 = vector.load %arg5[%get3A_678, %get3A_679, %get3A_680] : memref<64x128x128xbf16, #tpu.memory_space<vmem>>, vector<1x128x128xbf16>
    %get3A_682 = vector.shape_cast %get3A_681 : vector<1x128x128xbf16> to vector<128x128xbf16>
    %dot_general3A_683 = arith.constant dense<0.000000e+00> : vector<1024x128xf32>
    %dot_general3A_684 = tpu.matmul %select_n3A_677, %get3A_682, %dot_general3A_683 {dimension_numbers = #tpu.dot_dimension_numbers<[1], [0], [0], [1], [0, 0, 1, 1], [], []>, transpose_lhs_hint = false} : vector<1024x128xbf16>, vector<128x128xbf16>, vector<1024x128xf32> -> vector<1024x128xf32>
    %add3A_685 = arith.addf %add3A_673, %dot_general3A_684 : vector<1024x128xf32>
    %eq3A_686 = arith.constant 5.600000e+01 : bf16
    %eq3A_687 = vector.broadcast %eq3A_686 : bf16 to vector<1024x128xbf16>
    %eq3A_688 = arith.cmpf oeq, %broadcast_in_dim3A_12, %eq3A_687 : vector<1024x128xbf16>
    %select_n3A_689 = arith.select %eq3A_688, %convert_element_type3A_4, %broadcast_in_dim3A_14 : vector<1024x128xi1>, vector<1024x128xbf16>
    %get3A_690 = arith.constant 56 : index
    %get3A_691 = arith.constant 0 : index
    %get3A_692 = arith.constant 0 : index
    %get3A_693 = vector.load %arg5[%get3A_690, %get3A_691, %get3A_692] : memref<64x128x128xbf16, #tpu.memory_space<vmem>>, vector<1x128x128xbf16>
    %get3A_694 = vector.shape_cast %get3A_693 : vector<1x128x128xbf16> to vector<128x128xbf16>
    %dot_general3A_695 = arith.constant dense<0.000000e+00> : vector<1024x128xf32>
    %dot_general3A_696 = tpu.matmul %select_n3A_689, %get3A_694, %dot_general3A_695 {dimension_numbers = #tpu.dot_dimension_numbers<[1], [0], [0], [1], [0, 0, 1, 1], [], []>, transpose_lhs_hint = false} : vector<1024x128xbf16>, vector<128x128xbf16>, vector<1024x128xf32> -> vector<1024x128xf32>
    %add3A_697 = arith.addf %add3A_685, %dot_general3A_696 : vector<1024x128xf32>
    %eq3A_698 = arith.constant 5.700000e+01 : bf16
    %eq3A_699 = vector.broadcast %eq3A_698 : bf16 to vector<1024x128xbf16>
    %eq3A_700 = arith.cmpf oeq, %broadcast_in_dim3A_12, %eq3A_699 : vector<1024x128xbf16>
    %select_n3A_701 = arith.select %eq3A_700, %convert_element_type3A_4, %broadcast_in_dim3A_14 : vector<1024x128xi1>, vector<1024x128xbf16>
    %get3A_702 = arith.constant 57 : index
    %get3A_703 = arith.constant 0 : index
    %get3A_704 = arith.constant 0 : index
    %get3A_705 = vector.load %arg5[%get3A_702, %get3A_703, %get3A_704] : memref<64x128x128xbf16, #tpu.memory_space<vmem>>, vector<1x128x128xbf16>
    %get3A_706 = vector.shape_cast %get3A_705 : vector<1x128x128xbf16> to vector<128x128xbf16>
    %dot_general3A_707 = arith.constant dense<0.000000e+00> : vector<1024x128xf32>
    %dot_general3A_708 = tpu.matmul %select_n3A_701, %get3A_706, %dot_general3A_707 {dimension_numbers = #tpu.dot_dimension_numbers<[1], [0], [0], [1], [0, 0, 1, 1], [], []>, transpose_lhs_hint = false} : vector<1024x128xbf16>, vector<128x128xbf16>, vector<1024x128xf32> -> vector<1024x128xf32>
    %add3A_709 = arith.addf %add3A_697, %dot_general3A_708 : vector<1024x128xf32>
    %eq3A_710 = arith.constant 5.800000e+01 : bf16
    %eq3A_711 = vector.broadcast %eq3A_710 : bf16 to vector<1024x128xbf16>
    %eq3A_712 = arith.cmpf oeq, %broadcast_in_dim3A_12, %eq3A_711 : vector<1024x128xbf16>
    %select_n3A_713 = arith.select %eq3A_712, %convert_element_type3A_4, %broadcast_in_dim3A_14 : vector<1024x128xi1>, vector<1024x128xbf16>
    %get3A_714 = arith.constant 58 : index
    %get3A_715 = arith.constant 0 : index
    %get3A_716 = arith.constant 0 : index
    %get3A_717 = vector.load %arg5[%get3A_714, %get3A_715, %get3A_716] : memref<64x128x128xbf16, #tpu.memory_space<vmem>>, vector<1x128x128xbf16>
    %get3A_718 = vector.shape_cast %get3A_717 : vector<1x128x128xbf16> to vector<128x128xbf16>
    %dot_general3A_719 = arith.constant dense<0.000000e+00> : vector<1024x128xf32>
    %dot_general3A_720 = tpu.matmul %select_n3A_713, %get3A_718, %dot_general3A_719 {dimension_numbers = #tpu.dot_dimension_numbers<[1], [0], [0], [1], [0, 0, 1, 1], [], []>, transpose_lhs_hint = false} : vector<1024x128xbf16>, vector<128x128xbf16>, vector<1024x128xf32> -> vector<1024x128xf32>
    %add3A_721 = arith.addf %add3A_709, %dot_general3A_720 : vector<1024x128xf32>
    %eq3A_722 = arith.constant 5.900000e+01 : bf16
    %eq3A_723 = vector.broadcast %eq3A_722 : bf16 to vector<1024x128xbf16>
    %eq3A_724 = arith.cmpf oeq, %broadcast_in_dim3A_12, %eq3A_723 : vector<1024x128xbf16>
    %select_n3A_725 = arith.select %eq3A_724, %convert_element_type3A_4, %broadcast_in_dim3A_14 : vector<1024x128xi1>, vector<1024x128xbf16>
    %get3A_726 = arith.constant 59 : index
    %get3A_727 = arith.constant 0 : index
    %get3A_728 = arith.constant 0 : index
    %get3A_729 = vector.load %arg5[%get3A_726, %get3A_727, %get3A_728] : memref<64x128x128xbf16, #tpu.memory_space<vmem>>, vector<1x128x128xbf16>
    %get3A_730 = vector.shape_cast %get3A_729 : vector<1x128x128xbf16> to vector<128x128xbf16>
    %dot_general3A_731 = arith.constant dense<0.000000e+00> : vector<1024x128xf32>
    %dot_general3A_732 = tpu.matmul %select_n3A_725, %get3A_730, %dot_general3A_731 {dimension_numbers = #tpu.dot_dimension_numbers<[1], [0], [0], [1], [0, 0, 1, 1], [], []>, transpose_lhs_hint = false} : vector<1024x128xbf16>, vector<128x128xbf16>, vector<1024x128xf32> -> vector<1024x128xf32>
    %add3A_733 = arith.addf %add3A_721, %dot_general3A_732 : vector<1024x128xf32>
    %eq3A_734 = arith.constant 6.000000e+01 : bf16
    %eq3A_735 = vector.broadcast %eq3A_734 : bf16 to vector<1024x128xbf16>
    %eq3A_736 = arith.cmpf oeq, %broadcast_in_dim3A_12, %eq3A_735 : vector<1024x128xbf16>
    %select_n3A_737 = arith.select %eq3A_736, %convert_element_type3A_4, %broadcast_in_dim3A_14 : vector<1024x128xi1>, vector<1024x128xbf16>
    %get3A_738 = arith.constant 60 : index
    %get3A_739 = arith.constant 0 : index
    %get3A_740 = arith.constant 0 : index
    %get3A_741 = vector.load %arg5[%get3A_738, %get3A_739, %get3A_740] : memref<64x128x128xbf16, #tpu.memory_space<vmem>>, vector<1x128x128xbf16>
    %get3A_742 = vector.shape_cast %get3A_741 : vector<1x128x128xbf16> to vector<128x128xbf16>
    %dot_general3A_743 = arith.constant dense<0.000000e+00> : vector<1024x128xf32>
    %dot_general3A_744 = tpu.matmul %select_n3A_737, %get3A_742, %dot_general3A_743 {dimension_numbers = #tpu.dot_dimension_numbers<[1], [0], [0], [1], [0, 0, 1, 1], [], []>, transpose_lhs_hint = false} : vector<1024x128xbf16>, vector<128x128xbf16>, vector<1024x128xf32> -> vector<1024x128xf32>
    %add3A_745 = arith.addf %add3A_733, %dot_general3A_744 : vector<1024x128xf32>
    %eq3A_746 = arith.constant 6.100000e+01 : bf16
    %eq3A_747 = vector.broadcast %eq3A_746 : bf16 to vector<1024x128xbf16>
    %eq3A_748 = arith.cmpf oeq, %broadcast_in_dim3A_12, %eq3A_747 : vector<1024x128xbf16>
    %select_n3A_749 = arith.select %eq3A_748, %convert_element_type3A_4, %broadcast_in_dim3A_14 : vector<1024x128xi1>, vector<1024x128xbf16>
    %get3A_750 = arith.constant 61 : index
    %get3A_751 = arith.constant 0 : index
    %get3A_752 = arith.constant 0 : index
    %get3A_753 = vector.load %arg5[%get3A_750, %get3A_751, %get3A_752] : memref<64x128x128xbf16, #tpu.memory_space<vmem>>, vector<1x128x128xbf16>
    %get3A_754 = vector.shape_cast %get3A_753 : vector<1x128x128xbf16> to vector<128x128xbf16>
    %dot_general3A_755 = arith.constant dense<0.000000e+00> : vector<1024x128xf32>
    %dot_general3A_756 = tpu.matmul %select_n3A_749, %get3A_754, %dot_general3A_755 {dimension_numbers = #tpu.dot_dimension_numbers<[1], [0], [0], [1], [0, 0, 1, 1], [], []>, transpose_lhs_hint = false} : vector<1024x128xbf16>, vector<128x128xbf16>, vector<1024x128xf32> -> vector<1024x128xf32>
    %add3A_757 = arith.addf %add3A_745, %dot_general3A_756 : vector<1024x128xf32>
    %eq3A_758 = arith.constant 6.200000e+01 : bf16
    %eq3A_759 = vector.broadcast %eq3A_758 : bf16 to vector<1024x128xbf16>
    %eq3A_760 = arith.cmpf oeq, %broadcast_in_dim3A_12, %eq3A_759 : vector<1024x128xbf16>
    %select_n3A_761 = arith.select %eq3A_760, %convert_element_type3A_4, %broadcast_in_dim3A_14 : vector<1024x128xi1>, vector<1024x128xbf16>
    %get3A_762 = arith.constant 62 : index
    %get3A_763 = arith.constant 0 : index
    %get3A_764 = arith.constant 0 : index
    %get3A_765 = vector.load %arg5[%get3A_762, %get3A_763, %get3A_764] : memref<64x128x128xbf16, #tpu.memory_space<vmem>>, vector<1x128x128xbf16>
    %get3A_766 = vector.shape_cast %get3A_765 : vector<1x128x128xbf16> to vector<128x128xbf16>
    %dot_general3A_767 = arith.constant dense<0.000000e+00> : vector<1024x128xf32>
    %dot_general3A_768 = tpu.matmul %select_n3A_761, %get3A_766, %dot_general3A_767 {dimension_numbers = #tpu.dot_dimension_numbers<[1], [0], [0], [1], [0, 0, 1, 1], [], []>, transpose_lhs_hint = false} : vector<1024x128xbf16>, vector<128x128xbf16>, vector<1024x128xf32> -> vector<1024x128xf32>
    %add3A_769 = arith.addf %add3A_757, %dot_general3A_768 : vector<1024x128xf32>
    %eq3A_770 = arith.constant 6.300000e+01 : bf16
    %eq3A_771 = vector.broadcast %eq3A_770 : bf16 to vector<1024x128xbf16>
    %eq3A_772 = arith.cmpf oeq, %broadcast_in_dim3A_12, %eq3A_771 : vector<1024x128xbf16>
    %select_n3A_773 = arith.select %eq3A_772, %convert_element_type3A_4, %broadcast_in_dim3A_14 : vector<1024x128xi1>, vector<1024x128xbf16>
    %get3A_774 = arith.constant 63 : index
    %get3A_775 = arith.constant 0 : index
    %get3A_776 = arith.constant 0 : index
    %get3A_777 = vector.load %arg5[%get3A_774, %get3A_775, %get3A_776] : memref<64x128x128xbf16, #tpu.memory_space<vmem>>, vector<1x128x128xbf16>
    %get3A_778 = vector.shape_cast %get3A_777 : vector<1x128x128xbf16> to vector<128x128xbf16>
    %dot_general3A_779 = arith.constant dense<0.000000e+00> : vector<1024x128xf32>
    %dot_general3A_780 = tpu.matmul %select_n3A_773, %get3A_778, %dot_general3A_779 {dimension_numbers = #tpu.dot_dimension_numbers<[1], [0], [0], [1], [0, 0, 1, 1], [], []>, transpose_lhs_hint = false} : vector<1024x128xbf16>, vector<128x128xbf16>, vector<1024x128xf32> -> vector<1024x128xf32>
    %add3A_781 = arith.addf %add3A_769, %dot_general3A_780 : vector<1024x128xf32>
    %swap3A = arith.constant 0 : index
    %swap3A_782 = arith.constant 0 : index
    %swap3A_783 = vector.load %arg4[%swap3A, %swap3A_782] : memref<1024x128xf32, #tpu.memory_space<vmem>>, vector<1024x128xf32>
    tpu.vector_store %arg4[%swap3A, %swap3A_782], %add3A_781 {strides = array<i32>} : memref<1024x128xf32, #tpu.memory_space<vmem>>, vector<1024x128xf32>,
    return
  }
  func.func @transform_0(%arg0: i32) -> (i32, i32, i32) {
    %c0_i32 = arith.constant 0 : i32
    %c0_i32_0 = arith.constant 0 : i32
    %c0_i32_1 = arith.constant 0 : i32
    return %arg0, %c0_i32, %c0_i32_0 : i32, i32, i32
  }
  func.func @transform_1(%arg0: i32) -> (i32, i32) {
    %c0_i32 = arith.constant 0 : i32
    %c0_i32_0 = arith.constant 0 : i32
    return %arg0, %c0_i32 : i32, i32
  }
  func.func @transform_2(%arg0: i32) -> (i32, i32, i32) {
    %c0_i32 = arith.constant 0 : i32
    %c0_i32_0 = arith.constant 0 : i32
    %c0_i32_1 = arith.constant 0 : i32
    %c0_i32_2 = arith.constant 0 : i32
    return %c0_i32, %c0_i32_0, %c0_i32_1 : i32, i32, i32
  }
  func.func @transform_3(%arg0: i32) -> (i32, i32) {
    %c0_i32 = arith.constant 0 : i32
    %c0_i32_0 = arith.constant 0 : i32
    return %arg0, %c0_i32 : i32, i32
  }
}

</mosaic_0001>

<sc_bundles>
// kernel: kernel.4.cloned.1.call-start
scs
__scs_entry_jumppad:
0x0: {  	(pc) =	sbr.rel $0x88, $3  }
0x1: {  	(tag) =	ssettag $0x0;
	lr =	simm.s32 $0x1  }
0x2: {  	[smem:$0x3F9D] =	sst lr;
	_ =	strace $0xD0000000  }
0x3: {  	_ = 	snop  }
0x4: {  	_ = 	snop  }
0x5: {  	_ = 	snop  }
0x6: {  	_ = 	snop  }
0x7: {  	_ = 	snop  }
__scs_overlays_trampoline_lowered:
0x8: {  	[smem:$0x3FAC] =	sst s0  }
0x9: {  	[smem:$0x3FAD] =	sst s1  }
0xa: {  	[smem:$0x3FAE] =	sst s2  }
0xb: {  	[smem:$0x3FAF] =	sst s3  }
0xc: {  	[smem:$0x3FB0] =	sst s4  }
0xd: {  	[smem:$0x3FB1] =	sst s5  }
0xe: {  	[smem:$0x3FB2] =	sst s6  }
0xf: {  	[smem:$0x3FB3] =	sst s7  }
0x10: {  	[smem:$0x3FB4] =	sst s8  }
0x11: {  	[smem:$0x3FB5] =	sst s9;
	s0 =	simm.s32 @!p0 $0x0  }
0x12: {  	s1 =	sld [smem:$0x3F9B];
	s0 =	simm.s32 @p0 $0x1  }
0x13: {  	[smem:$0x3FB6] =	sst s0;
	s0 =	simm.s32 @!p1 $0x0  }
0x14: {  	s2 =	sld [smem:$0x3F9A];
	s0 =	simm.s32 @p1 $0x1  }
0x15: {  	[smem:$0x3FB7] =	sst s0;
	s0 =	simm.s32 @!p2 $0x0  }
0x16: {  	s3 =	sld [smem:$0x3FDB];
	s0 =	simm.s32 @p2 $0x1  }
0x17: {  	s4 =	simm.s32 $0x1BF5;
	[smem:$0x3FB9] =	sst s0  }
0x18: {  	s0 =	sld [smem:$0x3F9C];
	_ =	swait.ge [sflag:s4], $0x0  }
0x19: {  	s7 =	sld [smem:$0x3F9D]  }
0x1a: {  	s8 =	sadd.s32 $0xFFFFE003, lr  }
0x1b: {  	s9 =	sadd.s32 $0xFFFFFEF7, lr;
	s5 =	simm.s32 $0xFFFFFFFF;
	p2 =	slt.u32 s8, $0xFFFFF086  }
0x1c: {  	p1 =	slt.u32 s9, $0xF7A;
	s5 =	simm.s32 @!p2 $0x0  }
0x1d: {  	s5 =	simm.s32 @p1 $0x1;
	p0 =	seq.s32 s7, s2  }
0x1e: {  	s7 =	smul.u32 @!p0 $0xF7A, s2;
	p2 =	seq.s32 @!p0 s5, $0x0  }
0x1f: {  	s9 =	smul.u32 $0xF7A, s1;
	s8 =	simm.s32 @!p0 $0x1BF5;
	p2 =	por !p2, p0  }
0x20: {  	[sflag:s8] =	ssyncset.s32 @!p0 $0xFFFFF086;
	s6 =	sadd.s32 @!p0 s3, s7;
	s7 =	simm.s32 @!p0 $0x108  }
0x21: {  	s3 =	sadd.s32 s3, s9;
	s6 =	sadd.s32 @!p0 $0x88, s6;
	s7 =	simm.s32 @p2 $0x1082  }
0x22: {  	[simem:s7], [sflag:s8] =	dma.local @!p0 [hbm:s6], $0xF7A  }
0x23: {  	s9 =	sor.u32 $0xD0000000, s2;
	s6 =	simm.s32 $0x108;
	_ =	swait.ge @!p0 [sflag:s8], $0x0  }
0x24: {  	s3 =	sadd.s32 $0x88, s3;
	s6 =	simm.s32 @!p1 $0x1082;
	[sflag:s4] =	ssyncset.s32 $0xFFFFF086  }
0x25: {  	[simem:s6], [sflag:s4] =	dma.local [hbm:s3], $0xF7A  }
0x26: {  	[smem:$0x3F9D] =	sst s1;
	(tag) =	ssettag s2;
	_ =	strace s9  }
0x27: {  	s1 =	sld [smem:$0x3FAD]  }
0x28: {  	s2 =	sld [smem:$0x3FAE]  }
0x29: {  	s4 =	sld [smem:$0x3FB0]  }
0x2a: {  	p0 =	seq.s32 s5, $0x0;
	s5 =	sld [smem:$0x3FB1]  }
0x2b: {  	s6 =	sld [smem:$0x3FB2]  }
0x2c: {  	s7 =	sld [smem:$0x3FB3]  }
0x2d: {  	s3 =	simm.s32 $0x108;
	s8 =	sld [smem:$0x3FB4]  }
0x2e: {  	s3 =	simm.s32 @!p0 $0x1082;
	s9 =	sld [smem:$0x3FB5]  }
0x2f: {  	lr =	sadd.s32 s0, s3;
	s0 =	sld [smem:$0x3FAC]  }
0x30: {  	s3 =	sld [smem:$0x3FAF]  }
0x31: {  	[smem:$0x3FB8] =	sst s10  }
0x32: {  	s10 =	sld [smem:$0x3FB6];
	_ =	sdelay $0x3  }
0x33: {  	p0 =	seq.s32 s10, $0x1;
	s10 =	sld [smem:$0x3FB8];
	_ =	sdelay $0x3  }
0x34: {  	[smem:$0x3FB8] =	sst s10  }
0x35: {  	s10 =	sld [smem:$0x3FB7];
	_ =	sdelay $0x3  }
0x36: {  	p1 =	seq.s32 s10, $0x1;
	s10 =	sld [smem:$0x3FB8];
	_ =	sdelay $0x3  }
0x37: {  	[smem:$0x3FB8] =	sst s10  }
0x38: {  	s10 =	sld [smem:$0x3FB9]  }
0x39: {  	_ = 	snop;
	(pc) =	sbr.ind lr, $3  }
0x3a: {  	_ = 	snop  }
0x3b: {  	_ = 	snop  }
0x3c: {  	p2 =	seq.s32 s10, $0x1;
	s10 =	sld [smem:$0x3FB8]  }
0x3d: {  	_ =	shalt  }
0x3e: {  	_ =	shalt  }
0x3f: {  	_ =	shalt  }
0x40: {  	_ =	shalt  }
0x41: {  	_ =	shalt  }
0x42: {  	_ =	shalt  }
0x43: {  	_ =	shalt  }
0x44: {  	_ =	shalt  }
0x45: {  	_ =	shalt  }
0x46: {  	_ =	shalt  }
0x47: {  	_ =	shalt  }
0x48: {  	_ =	shalt  }
0x49: {  	_ =	shalt  }
0x4a: {  	_ =	shalt  }
0x4b: {  	_ =	shalt  }
0x4c: {  	_ =	shalt  }
0x4d: {  	_ =	shalt  }
0x4e: {  	_ =	shalt  }
0x4f: {  	_ =	shalt  }
0x50: {  	_ =	shalt  }
0x51: {  	_ =	shalt  }
0x52: {  	_ =	shalt  }
0x53: {  	_ =	shalt  }
0x54: {  	_ =	shalt  }
0x55: {  	_ =	shalt  }
0x56: {  	_ =	shalt  }
0x57: {  	_ =	shalt  }
0x58: {  	_ =	shalt  }
0x59: {  	_ =	shalt  }
0x5a: {  	_ =	shalt  }
0x5b: {  	_ =	shalt  }
0x5c: {  	_ =	shalt  }
0x5d: {  	_ =	shalt  }
0x5e: {  	_ =	shalt  }
0x5f: {  	_ =	shalt  }
0x60: {  	_ =	shalt  }
0x61: {  	_ =	shalt  }
0x62: {  	_ =	shalt  }
0x63: {  	_ =	shalt  }
0x64: {  	_ =	shalt  }
0x65: {  	_ =	shalt  }
0x66: {  	_ =	shalt  }
0x67: {  	_ =	shalt  }
0x68: {  	_ =	shalt  }
0x69: {  	_ =	shalt  }
0x6a: {  	_ =	shalt  }
0x6b: {  	_ =	shalt  }
0x6c: {  	_ =	shalt  }
0x6d: {  	_ =	shalt  }
0x6e: {  	_ =	shalt  }
0x6f: {  	_ =	shalt  }
0x70: {  	_ =	shalt  }
0x71: {  	_ =	shalt  }
0x72: {  	_ =	shalt  }
0x73: {  	_ =	shalt  }
0x74: {  	_ =	shalt  }
0x75: {  	_ =	shalt  }
0x76: {  	_ =	shalt  }
0x77: {  	_ =	shalt  }
0x78: {  	_ =	shalt  }
0x79: {  	_ =	shalt  }
0x7a: {  	_ =	shalt  }
0x7b: {  	_ =	shalt  }
0x7c: {  	_ =	shalt  }
0x7d: {  	_ =	shalt  }
0x7e: {  	_ =	shalt  }
0x7f: {  	_ =	shalt  }
0x80: {  	_ =	shalt  }
0x81: {  	_ =	shalt  }
0x82: {  	_ =	shalt  }
0x83: {  	_ =	shalt  }
0x84: {  	_ =	shalt  }
0x85: {  	_ =	shalt  }
0x86: {  	_ =	shalt  }
0x87: {  	_ =	shalt  }
.Lfunc_end0:
.L_simem_size_0:
called_computation_lowered:
.L_overlay_start_0:
0x88: {  	s2 =	sld [smem:$0x3FD9]  }
0x89: {  	s3 =	sld [smem:$0x3FFE];
	_ =	sdelay $0x1  }
0x8a: {  	s1 =	srdreg.scid  }
0x8b: {  	s0 =	sand.u32 $0x1, s1  }
0x8c: {  	s17 =	sshll.u32 s0, $0xA;
	s2 =	sadd.s32 s3, s2  }
0x8d: {  	s2 =	sadd.s32 s2, s17  }
0x8e: {  	[smem:$0x3FC4] =	sst s2  }
0x8f: {  	_ = 	snop  }
0x90: {  	s2 =	sld [smem:$0x3FC7]  }
0x91: {  	s18 =	sld [smem:$0x3FD0];
	(tm) =	ssettm $0x1  }
0x92: {  	s4 =	sld [smem:$0x3FFB];
	_ =	sdelay $0x3  }
0x93: {  	_ =	strace s4  }
0x94: {  	s4 =	sld [smem:$0x3FFC];
	_ =	sdelay $0x3  }
0x95: {  	_ =	strace s4  }
0x96: {  	s4 =	sld [smem:$0x3FFD];
	_ =	sdelay $0x3  }
0x97: {  	_ =	strace s4  }
0x98: {  	_ =	strace $0x8FFFFFFF  }
0x99: {  	s19 =	sld [smem:$0x3FDB];
	_ =	sdelay $0x1  }
0x9a: {  	s5 =	simm.s32 $_scs_section_size  }
0x9b: {  	s6 =	simm.s32 $_size__tile_overlayer_lowered;
	s7 =	simm.s32 $_tile_overlayer_lowered  }
0x9c: {  	s22 =	simm.s32 $0x1BFF;
	s21 =	sshll.u32 s7, $0x1;
	s4 =	sadd.s32 s5, s19  }
0x9d: {  	s8 =	simm.s32 $0x0;
	s20 =	sshll.u32 s6, $0x1;
	s6 =	sadd.s32 s21, s4  }
0x9e: {  	[timem:s8], [sflag:s22] =	dma.local [hbm:s6], s20  }
0x9f: {  	_ =	swait.ge [sflag:s22], s20  }
0xa0: {  	s5 =	ssub.s32 $0x0, s20;
	[sflag:s22] =	ssyncset.done $0x0  }
0xa1: {  	[sflag:s22] =	ssyncadd.s32 s5;
	_ =	sdelay $0x1  }
0xa2: {  	s23 =	simm.s32 $0x1B8B  }
0xa3: {  	_ =	swait.ge [sflag:s23], $0x1  }
0xa4: {  	[sflag:s23] =	ssyncset.done $0x0  }
0xa5: {  	s25 =	simm.s32 $0x1B8E;
	s24 =	sld [smem:$0x3FFE];
	[sflag:s23] =	ssyncadd.s32 $0xFFFFFFFF  }
0xa6: {  	s26 =	simm.s32 $execute0_lowered;
	[smem:$0x3FD2] =	sst s25  }
0xa7: {  	s6 =	sshll.u32 s26, $0x1;
	_ =	strace $0x80000046;
	[dreg:$0x1] =	wrdreg $0xFFFFFFFF  }
0xa8: {  	s28 =	simm.s32 $_size_execute0_lowered;
	s4 =	sadd.s32 s4, s6;
	[dreg:$0x0] =	wrdreg $0x0  }
0xa9: {  	s6 =	sshll.u32 s28, $0x1;
	[dreg:$0x2] =	wrdreg s4  }
0xaa: {  	[dreg:$0x3] =	wrdreg s6  }
0xab: {  	[dreg:$0x4] =	wrdreg $0xC0  }
0xac: {  	_ =	task [dreg:s8], $0x5FFFF  }
0xad: {  	[dreg:$0x1] =	wrdreg $0xFFFFFFFF  }
0xae: {  	[dreg:$0x0] =	wrdreg $0x60  }
0xaf: {  	[dreg:$0x2] =	wrdreg s18  }
0xb0: {  	[dreg:$0x3] =	wrdreg s2  }
0xb1: {  	[dreg:$0x4] =	wrdreg s24  }
0xb2: {  	[dreg:$0x5] =	wrdreg $0x9  }
0xb3: {  	_ =	task.clear_ibuf [dreg:s8], $0x6FFFF;
	_ =	strace $0x90000046  }
0xb4: {  	s29 =	simm.s32 $0x9;
	_ =	strace $0x80000048  }
0xb5: {  	_ =	swait.ge [sflag:s29], $0x1  }
0xb6: {  	[sflag:s29] =	ssyncadd.s32 $0xFFFFFFFF  }
0xb7: {  	_ =	strace $0x90000048  }
0xb8: {  	_ =	sfence  }
0xb9: {  	s30 =	sld [smem:$0x0];
	_ =	sdelay $0x2  }
0xba: {  	s31 =	sshll.u32 s1, $0xD;
	s1 =	sshrl.u32 s1, $0x2  }
0xbb: {  	s3 =	sand.u32 $0x4000, s31;
	s1 =	sadd.s32 s1, s30  }
0xbc: {  	s0 =	sor.u32 s3, s0;
	s1 =	sshll.u32 s1, $0x11  }
0xbd: {  	s0 =	sor.u32 s1, s0  }
0xbe: {  	s0 =	sadd.s32 $0x8F2B, s0  }
0xbf: {  	[sflag:s0] =	ssyncadd.remote.s32 $0x1  }
0xc0: {  	_ =	sfence.sel $0xFFFF  }
0xc1: {  	[dreg:$0x0] =	wrdreg $0xFFFFFFFF;
	(pc) =	sbr.abs _section_cstart, $3  }
0xc2: {  	[dreg:$0x1] =	wrdreg $0xFFFFFFFF  }
0xc3: {  	_ =	task.clear_ibuf [dreg:s8], $0x2FFFF;
	_ =	strace $0x9FFFFFFF  }
0xc4: {  	(tm) =	ssettm $0x7FFFFFFF  }
0xc5: {  	_ =	shalt  }
tec
execute0_lowered:
.L_overlay_start_1:
0x0: {  	(tag) =	ssettag $0x1  }
0x1: {  	s4 =	rddreg [dreg:$0x0]  }
0x2: {  	s2 =	rddreg [dreg:$0x1]  }
0x3: {  	s8 =	rddreg [dreg:$0x2];
	s3 =	srdreg.scid  }
0x4: {  	s0 =	rddreg [dreg:$0x3];
	s1 =	stileid.u32;
	s6 =	sand.u32 $0x1, s3  }
0x5: {  	s3 =	simm.s32 $0x0;
	s5 =	sshll.u32 s1, $0x5;
	s7 =	sshll.u32 s6, $0x4  }
0x6: {  	[smem:$0x7FF] =	sst s3;
	s10 =	ssub.s32 $0x2, s6;
	s9 =	sor.u32 s7, s5  }
0x7: {  	_ =	strace $0x80000047;
	s5 =	sadd.s32 s4, s9;
	s4 =	simm.s32 $0x2  }
0x8: {  	[tilespmem:s3], [sflag:$0x2] =	stream.linear.gather [hbm4b:s5+s3], $0x80, $0x38;
	[tilespmem:$0x100] =	vst v63  }
0x9: {  	s6 =	simm.s32 $0x80;
	s11 =	sshrl.u32 s10, $0x1;
	_ =	swait.ge [sflag:s4], $0x80  }
0xa: {  	s7 =	simm.s32 $0x1;
	s31 =	ssub.s32 s10, s11;
	[sflag:s4] =	ssyncset.done $0x0  }
0xb: {  	s8 =	sadd.s32 s9, s8;
	s9 =	smax.u32 s31, $0x1;
	[sflag:s4] =	ssyncadd.s32 $0xFFFFFF80  }
0xc: {  	[tilespmem:s6], [sflag:$0x1] =	stream.indirect.gather [hbm4b:s2+s6], $0x1, s3, s6, $0xb8;
	[tilespmem:$0x100] =	vst v63  }
0xd: {  	p0 =	sne.s32 s9, $0x1;
	_ =	swait.ge [sflag:s7], $0x80  }
.Ltmp0:
0xe: {  	[sflag:s7] =	ssyncset.done $0x0;
	(pc) =	sbr.rel @!p0 .LBB2_2-.Ltmp0, $4  }
0xf: {  	s8 =	sadd.s32 $0xA00, s8;
	[sflag:s7] =	ssyncadd.s32 $0xFFFFFF80  }
0x10: {  	[hbm4b:s8+s3] =	stream.linear.scatter [tilespmem:s6], [sflag:$0x2], $0x80, $0x38;
	[tilespmem:$0x100] =	vst v63  }
0x11: {  	_ =	swait.ge [sflag:s4], $0x80  }
0x12: {  	s9 =	sadd.s32 $0xFFFFFFFF, s9;
	[sflag:s4] =	ssyncset.done $0x0  }
.LBB2_1:
0x13: {  	p0 =	sne.s32 s9, $0x1;
	s9 =	sadd.s32 $0xFFFFFFFF, s9;
	[sflag:s4] =	ssyncadd.s32 $0xFFFFFF80  }
0x14: {  	[tilespmem:s3], [sflag:$0x2] =	stream.linear.gather [hbm4b:s5+s3], $0x80, $0x38;
	[tilespmem:$0x100] =	vst v63  }
0x15: {  	_ =	swait.ge [sflag:s4], $0x80  }
0x16: {  	[sflag:s4] =	ssyncset.done $0x0  }
0x17: {  	[sflag:s4] =	ssyncadd.s32 $0xFFFFFF80  }
0x18: {  	[tilespmem:s6], [sflag:$0x1] =	stream.indirect.gather [hbm4b:s2+s6], $0x1, s3, s6, $0xb8;
	[tilespmem:$0x100] =	vst v63  }
0x19: {  	_ =	swait.ge [sflag:s7], $0x80  }
.Ltmp1:
0x1a: {  	[sflag:s7] =	ssyncset.done $0x0;
	(pc) =	sbr.rel @p0 .LBB2_1-.Ltmp1, $4  }
0x1b: {  	[sflag:s7] =	ssyncadd.s32 $0xFFFFFF80  }
0x1c: {  	[hbm4b:s8+s3] =	stream.linear.scatter [tilespmem:s6], [sflag:$0x2], $0x80, $0x38;
	[tilespmem:$0x100] =	vst v63  }
0x1d: {  	_ =	swait.ge [sflag:s4], $0x80  }
0x1e: {  	[sflag:s4] =	ssyncset.done $0x0  }
.LBB2_2:
0x1f: {  	[sflag:s4] =	ssyncadd.s32 $0xFFFFFF80  }
0x20: {  	_ =	sfence.sel $0x180000  }
0x21: {  	[bflag:$0x0] =	sbarrier.arrive $0xFFFF  }
0x22: {  	p0 =	sne.s32 s1, $0x0;
	_ =	strace $0x90000047  }
0x23: {  	s0 =	sadd.s32 @!p0 $0x100000, s0;
	[bflag:$0x2] =	sbarrier.arrive $0xFFFF  }
0x24: {  	[sflag:s0] =	ssyncadd.tile.s32 @!p0 $0x1;
	_ =	shalt  }
.Lfunc_end2:
_tile_overlayer_lowered:
.L_overlay_start_2:
0x25: {  	(tag) =	ssettag $0x2  }
0x26: {  	s0 =	rddreg [dreg:$0x0];
	s2 =	stileid.u32  }
0x27: {  	s1 =	rddreg [dreg:$0x1];
	p0 =	sne.s32 s2, $0x0  }
0x28: {  	s3 =	rddreg [dreg:$0x2];
	[bflag:$0x3] =	sbarrier.arrive $0xFFFF;
	s2 =	simm.s32 @!p0 $0x1C02  }
0x29: {  	[timem:s3], [sflag:s2] =	dma.local @!p0 [hbm:s0], s1  }
0x2a: {  	s0 =	simm.s32 @!p0 $0x2  }
0x2b: {  	_ =	swait.ge @!p0 [sflag:s0], s1  }
0x2c: {  	s1 =	ssub.s32 @!p0 $0x0, s1;
	[sflag:s0] =	ssyncset.done @!p0 $0x0  }
0x2d: {  	[sflag:s0] =	ssyncadd.s32 @!p0 s1  }
0x2e: {  	[bflag:$0x3] =	sbarrier.arrive $0xFFFF  }
0x2f: {  	_ =	shalt  }

</sc_bundles>
